<compile_context>
chip_gen: v7x
topology: tpu7x:2x2x1
jax: 0.10.2.dev20260603
libtpu: 0.0.44.dev20260713+nightly
codegen_flags: <defaults>
</compile_context>

<pallas_src>
import functools

import jax
import jax.numpy as jnp
from jax.experimental import pallas as pl
from jax.experimental.pallas import tpu as pltpu
from jax.experimental.pallas import tpu_sc as plsc

_B, _S, _D, _H = 2, 2048, 2048, 16
_HD = _D // _H
_EPS = 1e-5
_SCALE = 1.0 / (_HD ** 0.5)
_NEG = -1e9
_TSN = 512
_TSQ = 1024
_TNQ = 512
_TQ = 1024
_TSO = 1024
_TN = 512
_NT = (((1,), (1,)), ((), ()))
_NN = (((1,), (0,)), ((), ()))


_ROWS = _B * _S
_NW = 32
_RPW = _ROWS // _NW
_CHUNK = 32


def _sc_gather_kernel(table_hbm, idx_hbm, out_hbm, idx_v, rows_v, sem):
    wid = jax.lax.axis_index("s") * 2 + jax.lax.axis_index("c")
    base = wid * _RPW
    for c in range(_RPW // _CHUNK):
        off = base + c * _CHUNK
        pltpu.sync_copy(idx_hbm.at[pl.ds(off, _CHUNK)], idx_v)
        pltpu.async_copy(table_hbm.at[idx_v], rows_v, sem).wait()
        pltpu.sync_copy(rows_v, out_hbm.at[pl.ds(off, _CHUNK)])


def _sc_gather(table, idx):
    mesh = plsc.VectorSubcoreMesh(core_axis_name="c", subcore_axis_name="s",
                                  num_cores=2, num_subcores=16)
    return pl.kernel(
        _sc_gather_kernel,
        out_type=jax.ShapeDtypeStruct((_ROWS, _D), jnp.float32),
        mesh=mesh,
        scratch_types=[
            pltpu.VMEM((_CHUNK,), jnp.int32),
            pltpu.VMEM((_CHUNK, _D), jnp.float32),
            pltpu.SemaphoreType.DMA,
        ],
    )(table, idx)


def _norm_kernel(x_ref, m_ref, n0_ref, n1_ref, g0_ref, g1_ref):
    x = x_ref[0]
    r = jax.lax.rsqrt(jnp.mean(x * x, axis=1, keepdims=True) + _EPS)
    m1 = jnp.max(m_ref[0], axis=1, keepdims=True)
    h0 = x * (r * (1.0 - m1))
    h1 = x * (r * m1)
    g0_ref[0] = (h0 * n0_ref[...]).astype(jnp.bfloat16)
    g1_ref[0] = (h1 * n1_ref[...]).astype(jnp.bfloat16)


def _proj_kernel(g0_ref, g1_ref, w0_ref, w1_ref, ca_ref, sb_ref, o_ref):
    g0 = g0_ref[0]
    g1 = g1_ref[0]
    y = (jax.lax.dot_general(g0, w0_ref[...], _NT,
                             preferred_element_type=jnp.float32)
         + jax.lax.dot_general(g1, w1_ref[...], _NT,
                               preferred_element_type=jnp.float32))
    ia = jax.lax.broadcasted_iota(jnp.int32, (_TNQ, _TNQ), 0)
    ib = jax.lax.broadcasted_iota(jnp.int32, (_TNQ, _TNQ), 1)
    pmat = ((ia ^ 1) == ib).astype(jnp.bfloat16)
    sw = jax.lax.dot_general(y.astype(jnp.bfloat16), pmat, _NN,
                             preferred_element_type=jnp.float32)
    ca = jnp.concatenate([ca_ref[0]] * (_TNQ // _HD), axis=1)
    sb = jnp.concatenate([sb_ref[0]] * (_TNQ // _HD), axis=1)
    o_ref[0] = (y * ca + sw * sb).astype(jnp.bfloat16)


def _attn_kernel(it_ref, jt_ref, q_ref, k_ref, v_ref, o_ref,
                 acc_ref, m_ref, l_ref):
    t = pl.program_id(2)
    i = it_ref[t]
    j = jt_ref[t]
    q = q_ref[0]
    k = k_ref[0]
    s = jax.lax.dot_general(q, k, _NT, preferred_element_type=jnp.float32)
    row = jax.lax.broadcasted_iota(jnp.int32, (_TQ, _TQ), 0)
    col = jax.lax.broadcasted_iota(jnp.int32, (_TQ, _TQ), 1)
    s = jnp.where(jnp.logical_and(i == j, col > row), _NEG, s)
    first = j == 0
    m_prev = jnp.where(first, -3e38,
                       jnp.max(m_ref[...], axis=1, keepdims=True))
    l_prev = jnp.where(first, 0.0,
                       jnp.max(l_ref[...], axis=1, keepdims=True))
    acc_prev = jnp.where(first, 0.0, acc_ref[...])
    m_new = jnp.maximum(m_prev, jnp.max(s, axis=1, keepdims=True))
    p = jnp.exp(s - m_new)
    corr = jnp.exp(m_prev - m_new)
    l_new = l_prev * corr + jnp.sum(p, axis=1, keepdims=True)
    pv = jax.lax.dot_general(p.astype(jnp.bfloat16), v_ref[0], _NN,
                             preferred_element_type=jnp.float32)
    acc_new = acc_prev * corr + pv
    m_ref[...] = jnp.broadcast_to(m_new, (_TQ, 128))
    l_ref[...] = jnp.broadcast_to(l_new, (_TQ, 128))
    acc_ref[...] = acc_new

    @pl.when(i == j)
    def _():
        o_ref[0] = (acc_new / l_new).astype(jnp.bfloat16)


def _out_kernel(a_ref, m_ref, wo0_ref, wo1_ref, o_ref):
    a = a_ref[0]
    m1 = jnp.max(m_ref[0], axis=1, keepdims=True)
    a1 = a * m1.astype(jnp.bfloat16)
    a0 = a - a1
    w0 = wo0_ref[...].astype(jnp.bfloat16)
    w1 = wo1_ref[...].astype(jnp.bfloat16)
    o_ref[0] = (jax.lax.dot_general(a0, w0, _NT,
                                    preferred_element_type=jnp.float32)
                + jax.lax.dot_general(a1, w1, _NT,
                                      preferred_element_type=jnp.float32))


def kernel(x, wq0, wk0, wv0, wo0, wq1, wk1, wv1, wo1, nrm0, nrm1,
           freqs_cos, freqs_sin, mask, modality_ids, start_pos):
    del mask, start_pos
    f32 = jnp.float32
    bf16 = jnp.bfloat16
    m_bc = jnp.broadcast_to(
        (modality_ids == 1).astype(f32)[:, :, None], (_B, _S, 128))
    cc = jnp.repeat(freqs_cos, 2, axis=1)
    sign = jnp.tile(jnp.array([-1.0, 1.0], dtype=f32), _HD // 2)
    ss = jnp.repeat(freqs_sin, 2, axis=1) * sign[None, :]
    ca = jnp.stack([cc * _SCALE, cc, jnp.ones_like(cc)])
    sb = jnp.stack([ss * _SCALE, ss, jnp.zeros_like(ss)])
    n0 = nrm0.reshape(1, _D)
    n1 = nrm1.reshape(1, _D)
    wqkv0 = jnp.concatenate([wq0, wk0, wv0], axis=0).astype(bf16)
    wqkv1 = jnp.concatenate([wq1, wk1, wv1], axis=0).astype(bf16)

    idx = jnp.arange(_ROWS, dtype=jnp.int32)
    x = _sc_gather(x.reshape(_ROWS, _D), idx).reshape(_B, _S, _D)

    g0, g1 = pl.pallas_call(
        _norm_kernel,
        grid=(_B, _S // _TSN),
        in_specs=[
            pl.BlockSpec((1, _TSN, _D), lambda b, i: (b, i, 0)),
            pl.BlockSpec((1, _TSN, 128), lambda b, i: (b, i, 0)),
            pl.BlockSpec((1, _D), lambda b, i: (0, 0)),
            pl.BlockSpec((1, _D), lambda b, i: (0, 0)),
        ],
        out_specs=[
            pl.BlockSpec((1, _TSN, _D), lambda b, i: (b, i, 0)),
            pl.BlockSpec((1, _TSN, _D), lambda b, i: (b, i, 0)),
        ],
        out_shape=[
            jax.ShapeDtypeStruct((_B, _S, _D), bf16),
            jax.ShapeDtypeStruct((_B, _S, _D), bf16),
        ],
    )(x, m_bc, n0, n1)

    nblk = _TNQ // _HD
    qkv = pl.pallas_call(
        _proj_kernel,
        grid=(_B, _S // _TSQ, 3 * _D // _TNQ),
        in_specs=[
            pl.BlockSpec((1, _TSQ, _D), lambda b, i, n: (b, i, 0)),
            pl.BlockSpec((1, _TSQ, _D), lambda b, i, n: (b, i, 0)),
            pl.BlockSpec((_TNQ, _D), lambda b, i, n: (n, 0)),
            pl.BlockSpec((_TNQ, _D), lambda b, i, n: (n, 0)),
            pl.BlockSpec((1, _TSQ, _HD), lambda b, i, n: (n // 4, i, 0)),
            pl.BlockSpec((1, _TSQ, _HD), lambda b, i, n: (n // 4, i, 0)),
        ],
        out_specs=pl.BlockSpec((1, _TSQ, _TNQ), lambda b, i, n: (b, i, n)),
        out_shape=jax.ShapeDtypeStruct((_B, _S, 3 * _D), bf16),
    )(g0, g1, wqkv0, wqkv1, ca, sb)

    nq = _S // _TQ
    tri = [(i, j) for i in range(nq) for j in range(i + 1)]
    itab = jnp.array([i for i, _ in tri], dtype=jnp.int32)
    jtab = jnp.array([j for _, j in tri], dtype=jnp.int32)
    attn = pl.pallas_call(
        _attn_kernel,
        grid_spec=pltpu.PrefetchScalarGridSpec(
            num_scalar_prefetch=2,
            grid=(_B, _H, len(tri)),
            in_specs=[
                pl.BlockSpec((1, _TQ, _HD),
                             lambda b, h, t, it, jt: (b, it[t], h)),
                pl.BlockSpec((1, _TQ, _HD),
                             lambda b, h, t, it, jt: (b, jt[t], _H + h)),
                pl.BlockSpec((1, _TQ, _HD),
                             lambda b, h, t, it, jt: (b, jt[t], 2 * _H + h)),
            ],
            out_specs=pl.BlockSpec((1, _TQ, _HD),
                                   lambda b, h, t, it, jt: (b, it[t], h)),
            scratch_shapes=[
                pltpu.VMEM((_TQ, _HD), jnp.float32),
                pltpu.VMEM((_TQ, 128), jnp.float32),
                pltpu.VMEM((_TQ, 128), jnp.float32),
            ],
        ),
        out_shape=jax.ShapeDtypeStruct((_B, _S, _D), bf16),
    )(itab, jtab, qkv, qkv, qkv)

    out = pl.pallas_call(
        _out_kernel,
        grid=(_B, _S // _TSO, _D // _TN),
        in_specs=[
            pl.BlockSpec((1, _TSO, _D), lambda b, i, n: (b, i, 0)),
            pl.BlockSpec((1, _TSO, 128), lambda b, i, n: (b, i, 0)),
            pl.BlockSpec((_TN, _D), lambda b, i, n: (n, 0)),
            pl.BlockSpec((_TN, _D), lambda b, i, n: (n, 0)),
        ],
        out_specs=pl.BlockSpec((1, _TSO, _TN), lambda b, i, n: (b, i, n)),
        out_shape=jax.ShapeDtypeStruct((_B, _S, _D), jnp.float32),
    )(attn, m_bc, wo0, wo1)

    return out

# --- scband reference (transcript-rebuilt; emitter-appended) ---
"""Pipeline reference for scband-mo-tattention-58394375356835 (READ-ONLY COPY).

The authoritative reference and input builder live on the scoring server;
editing this copy changes nothing except your own understanding.
"""

import jax, jax.numpy as jnp
import numpy as np

B, S, D, H = 2, 2048, 2048, 16
HD = D // H
EPS = 1e-5


def _rmsnorm(h, w):
    return (h * jax.lax.rsqrt(jnp.mean(h * h, axis=-1, keepdims=True) + EPS)) * w


def _apply_rotary(t, cos, sin):
    # t: [B, S, H, HD]; cos/sin: [S, HD//2]
    tr = t.reshape(*t.shape[:-1], HD // 2, 2)
    xr, xi = tr[..., 0], tr[..., 1]
    c = cos[None, :, None, :]
    s = sin[None, :, None, :]
    o_r = xr * c - xi * s
    o_i = xr * s + xi * c
    return jnp.stack([o_r, o_i], axis=-1).reshape(t.shape)


def setup_inputs(seed: int = 0) -> dict:
    key = jax.random.key(seed)
    ks = jax.random.split(key, 16)
    x = jax.random.normal(ks[0], (B, S, D), dtype=jnp.float32)
    theta = 500000.0
    freqs = 1.0 / (theta ** (np.arange(0, HD, 2).astype(np.float64) / HD))
    ang = np.outer(np.arange(S), freqs)
    freqs_cos = jnp.asarray(np.cos(ang), dtype=jnp.float32)
    freqs_sin = jnp.asarray(np.sin(ang), dtype=jnp.float32)
    idx = jnp.arange(S)
    mask = jnp.where(idx[None, :] > idx[:, None], jnp.float32(-1e9), jnp.float32(0.0))
    modality_ids = jax.random.randint(ks[1], (B, S), 0, 2, dtype=jnp.int32)
    sc = 0.02
    wq0 = sc * jax.random.normal(ks[2], (D, D), dtype=jnp.float32)
    wk0 = sc * jax.random.normal(ks[3], (D, D), dtype=jnp.float32)
    wv0 = sc * jax.random.normal(ks[4], (D, D), dtype=jnp.float32)
    wo0 = sc * jax.random.normal(ks[5], (D, D), dtype=jnp.float32)
    wq1 = sc * jax.random.normal(ks[6], (D, D), dtype=jnp.float32)
    wk1 = sc * jax.random.normal(ks[7], (D, D), dtype=jnp.float32)
    wv1 = sc * jax.random.normal(ks[8], (D, D), dtype=jnp.float32)
    wo1 = sc * jax.random.normal(ks[9], (D, D), dtype=jnp.float32)
    nrm0 = jnp.ones((D,), dtype=jnp.float32)
    nrm1 = jnp.ones((D,), dtype=jnp.float32)
    return {"x": x, "wq0": wq0, "wk0": wk0, "wv0": wv0, "wo0": wo0,
            "wq1": wq1, "wk1": wk1, "wv1": wv1, "wo1": wo1,
            "nrm0": nrm0, "nrm1": nrm1,
            "freqs_cos": freqs_cos, "freqs_sin": freqs_sin, "mask": mask,
            "modality_ids": modality_ids, "start_pos": 0}


def reference(x, wq0, wk0, wv0, wo0, wq1, wk1, wv1, wo1, nrm0, nrm1,
              freqs_cos, freqs_sin, mask, modality_ids, start_pos=0):
    bsz, seqlen, _ = x.shape
    sel = (modality_ids == 1)[..., None]  # [B, S, 1]
    # modality-specific attention norm then QKV (equivalent to gather->proj->scatter since per-token linear)
    h0 = _rmsnorm(x, nrm0)
    h1 = _rmsnorm(x, nrm1)
    xq = jnp.where(sel, h1 @ wq1.T, h0 @ wq0.T)
    xk = jnp.where(sel, h1 @ wk1.T, h0 @ wk0.T)
    xv = jnp.where(sel, h1 @ wv1.T, h0 @ wv0.T)
    xq = xq.reshape(bsz, seqlen, H, HD)
    xk = xk.reshape(bsz, seqlen, H, HD)
    xv = xv.reshape(bsz, seqlen, H, HD)
    xq = _apply_rotary(xq, freqs_cos, freqs_sin)
    xk = _apply_rotary(xk, freqs_cos, freqs_sin)
    # KV cache write uses .detach() in torch -> stop_gradient; start_pos=0 so cache slice == current xk/xv
    keys = jax.lax.stop_gradient(xk)
    values = jax.lax.stop_gradient(xv)
    # n_rep == 1 (n_heads == n_kv_heads), repeat_kv is identity
    q = jnp.transpose(xq, (0, 2, 1, 3))
    k = jnp.transpose(keys, (0, 2, 1, 3))
    v = jnp.transpose(values, (0, 2, 1, 3))
    scores = jnp.matmul(q, jnp.transpose(k, (0, 1, 3, 2))) / jnp.sqrt(jnp.float32(HD))
    scores = scores + mask[None, None, :, :]
    scores = jax.nn.softmax(scores.astype(jnp.float32), axis=-1).astype(q.dtype)
    attn = jnp.matmul(scores, v)  # [B, H, S, HD]
    attn = jnp.transpose(attn, (0, 2, 1, 3)).reshape(bsz, seqlen, H * HD)
    out = jnp.where(sel, attn @ wo1.T, attn @ wo0.T)
    return out

if __name__ == "__main__":
    import jax
    _d = setup_inputs()
    print(jax.jit(kernel)(*tuple(_d.values())))

</pallas_src>

<mosaic_0001>
#map = affine_map<(d0, d1) -> (0, 0)>
#map1 = affine_map<(d0, d1) -> (0)>
module attributes {stable_mosaic.version = 14 : i64} {
  func.func @_sc_gather_kernel(%arg0: i32, %arg1: i32, %arg2: memref<4096x2048xf32, #tpu.memory_space<hbm>>, %arg3: memref<4096xi32, #tpu.memory_space<hbm>>, %arg4: memref<4096x2048xf32, #tpu.memory_space<hbm>>, %arg5: memref<32xi32, #tpu.memory_space<vmem>>, %arg6: memref<32x2048xf32, #tpu.memory_space<vmem>>, %arg7: memref<!tpu.dma_semaphore, #tpu.memory_space<semaphore_mem>>) attributes {dimension_semantics = [#tpu.dimension_semantics<core_parallel>, #tpu.dimension_semantics<subcore_parallel>], iteration_bounds = array<i64: 2, 16>, scalar_prefetch = 0 : i64, scratch_operands = 3 : i64, tpu.core_type = #tpu.core_type<sc_vector_subcore>, window_params = [{transform_indices = #map}, {transform_indices = #map1}, {transform_indices = #map}]} {
    %mul3A = arith.constant 2 : i32
    %mul3A_0 = arith.muli %arg1, %mul3A : i32
    %add3A = arith.addi %mul3A_0, %arg0 : i32
    %mul3A_1 = arith.constant 128 : i32
    %mul3A_2 = arith.muli %add3A, %mul3A_1 : i32
    %add3A_3 = arith.constant 0 : i32
    %add3A_4 = arith.addi %mul3A_2, %add3A_3 : i32
    "tpu.region"() ({
      %run_scoped3A = tpu.sem_alloc : memref<!tpu.dma_semaphore, #tpu.memory_space<semaphore_mem>>
      %dma_start3A_33 = tpu.memref_slice %arg3[%add3A_4] : memref<4096xi32, #tpu.memory_space<hbm>> -> memref<32xi32, #tpu.memory_space<hbm>>
      %dma_start3A_34 = tpu.memref_slice %arg3[%add3A_4] : memref<4096xi32, #tpu.memory_space<hbm>> -> memref<32xi32, #tpu.memory_space<hbm>>
      tpu.enqueue_dma source(%dma_start3A_34 : memref<32xi32, #tpu.memory_space<hbm>>) target(%arg5 : memref<32xi32, #tpu.memory_space<vmem>>) target_semaphore(%run_scoped3A : memref<!tpu.dma_semaphore, #tpu.memory_space<semaphore_mem>>)
      %dma_wait3A_35 = tpu.memref_slice %arg3[%add3A_4] : memref<4096xi32, #tpu.memory_space<hbm>> -> memref<32xi32, #tpu.memory_space<hbm>>
      %dma_wait3A_36 = tpu.memref_slice %arg3[%add3A_4] : memref<4096xi32, #tpu.memory_space<hbm>> -> memref<32xi32, #tpu.memory_space<hbm>>
      tpu.wait_dma2 semaphore(%run_scoped3A : memref<!tpu.dma_semaphore, #tpu.memory_space<semaphore_mem>>) src(%dma_wait3A_36 : memref<32xi32, #tpu.memory_space<hbm>>) dst(%arg5 : memref<32xi32, #tpu.memory_space<vmem>>)
      tpu.yield
    }) : () -> ()
    %dma_start3A = arith.constant 0 : i32
    %dma_start3A_5 = arith.constant 0 : i32
    %dma_start3A_6 = tpu.memref_slice %arg2[%dma_start3A, %dma_start3A_5] : memref<4096x2048xf32, #tpu.memory_space<hbm>> -> memref<4096x2048xf32, #tpu.memory_space<hbm>>
    tpu.enqueue_indirect_dma source(%dma_start3A_6 : memref<4096x2048xf32, #tpu.memory_space<hbm>>) target(%arg6 : memref<32x2048xf32, #tpu.memory_space<vmem>>) offsets(%arg5 : memref<32xi32, #tpu.memory_space<vmem>>) semaphore(%arg7 : memref<!tpu.dma_semaphore, #tpu.memory_space<semaphore_mem>>)
    %dma_wait3A = arith.constant 0 : i32
    %dma_wait3A_7 = arith.constant 0 : i32
    %dma_wait3A_8 = tpu.memref_slice %arg2[%dma_wait3A, %dma_wait3A_7] : memref<4096x2048xf32, #tpu.memory_space<hbm>> -> memref<4096x2048xf32, #tpu.memory_space<hbm>>
    tpu.wait_indirect_dma semaphore(%arg7 : memref<!tpu.dma_semaphore, #tpu.memory_space<semaphore_mem>>) src(%dma_wait3A_8 : memref<4096x2048xf32, #tpu.memory_space<hbm>>) dst(%arg6 : memref<32x2048xf32, #tpu.memory_space<vmem>>)
    "tpu.region"() ({
      %run_scoped3A = tpu.sem_alloc : memref<!tpu.dma_semaphore, #tpu.memory_space<semaphore_mem>>
      %dma_start3A_33 = arith.constant 0 : i32
      %dma_start3A_34 = tpu.memref_slice %arg4[%add3A_4, %dma_start3A_33] : memref<4096x2048xf32, #tpu.memory_space<hbm>> -> memref<32x2048xf32, #tpu.memory_space<hbm>>
      %dma_start3A_35 = arith.constant 0 : i32
      %dma_start3A_36 = tpu.memref_slice %arg4[%add3A_4, %dma_start3A_35] : memref<4096x2048xf32, #tpu.memory_space<hbm>> -> memref<32x2048xf32, #tpu.memory_space<hbm>>
      tpu.enqueue_dma source(%arg6 : memref<32x2048xf32, #tpu.memory_space<vmem>>) target(%dma_start3A_36 : memref<32x2048xf32, #tpu.memory_space<hbm>>) target_semaphore(%run_scoped3A : memref<!tpu.dma_semaphore, #tpu.memory_space<semaphore_mem>>)
      %dma_wait3A_37 = arith.constant 0 : i32
      %dma_wait3A_38 = tpu.memref_slice %arg4[%add3A_4, %dma_wait3A_37] : memref<4096x2048xf32, #tpu.memory_space<hbm>> -> memref<32x2048xf32, #tpu.memory_space<hbm>>
      %dma_wait3A_39 = arith.constant 0 : i32
      %dma_wait3A_40 = tpu.memref_slice %arg4[%add3A_4, %dma_wait3A_39] : memref<4096x2048xf32, #tpu.memory_space<hbm>> -> memref<32x2048xf32, #tpu.memory_space<hbm>>
      tpu.wait_dma2 semaphore(%run_scoped3A : memref<!tpu.dma_semaphore, #tpu.memory_space<semaphore_mem>>) src(%arg6 : memref<32x2048xf32, #tpu.memory_space<vmem>>) dst(%dma_wait3A_40 : memref<32x2048xf32, #tpu.memory_space<hbm>>)
      tpu.yield
    }) : () -> ()
    %add3A_9 = arith.constant 32 : i32
    %add3A_10 = arith.addi %mul3A_2, %add3A_9 : i32
    "tpu.region"() ({
      %run_scoped3A = tpu.sem_alloc : memref<!tpu.dma_semaphore, #tpu.memory_space<semaphore_mem>>
      %dma_start3A_33 = tpu.memref_slice %arg3[%add3A_10] : memref<4096xi32, #tpu.memory_space<hbm>> -> memref<32xi32, #tpu.memory_space<hbm>>
      %dma_start3A_34 = tpu.memref_slice %arg3[%add3A_10] : memref<4096xi32, #tpu.memory_space<hbm>> -> memref<32xi32, #tpu.memory_space<hbm>>
      tpu.enqueue_dma source(%dma_start3A_34 : memref<32xi32, #tpu.memory_space<hbm>>) target(%arg5 : memref<32xi32, #tpu.memory_space<vmem>>) target_semaphore(%run_scoped3A : memref<!tpu.dma_semaphore, #tpu.memory_space<semaphore_mem>>)
      %dma_wait3A_35 = tpu.memref_slice %arg3[%add3A_10] : memref<4096xi32, #tpu.memory_space<hbm>> -> memref<32xi32, #tpu.memory_space<hbm>>
      %dma_wait3A_36 = tpu.memref_slice %arg3[%add3A_10] : memref<4096xi32, #tpu.memory_space<hbm>> -> memref<32xi32, #tpu.memory_space<hbm>>
      tpu.wait_dma2 semaphore(%run_scoped3A : memref<!tpu.dma_semaphore, #tpu.memory_space<semaphore_mem>>) src(%dma_wait3A_36 : memref<32xi32, #tpu.memory_space<hbm>>) dst(%arg5 : memref<32xi32, #tpu.memory_space<vmem>>)
      tpu.yield
    }) : () -> ()
    %dma_start3A_11 = arith.constant 0 : i32
    %dma_start3A_12 = arith.constant 0 : i32
    %dma_start3A_13 = tpu.memref_slice %arg2[%dma_start3A_11, %dma_start3A_12] : memref<4096x2048xf32, #tpu.memory_space<hbm>> -> memref<4096x2048xf32, #tpu.memory_space<hbm>>
    tpu.enqueue_indirect_dma source(%dma_start3A_13 : memref<4096x2048xf32, #tpu.memory_space<hbm>>) target(%arg6 : memref<32x2048xf32, #tpu.memory_space<vmem>>) offsets(%arg5 : memref<32xi32, #tpu.memory_space<vmem>>) semaphore(%arg7 : memref<!tpu.dma_semaphore, #tpu.memory_space<semaphore_mem>>)
    %dma_wait3A_14 = arith.constant 0 : i32
    %dma_wait3A_15 = arith.constant 0 : i32
    %dma_wait3A_16 = tpu.memref_slice %arg2[%dma_wait3A_14, %dma_wait3A_15] : memref<4096x2048xf32, #tpu.memory_space<hbm>> -> memref<4096x2048xf32, #tpu.memory_space<hbm>>
    tpu.wait_indirect_dma semaphore(%arg7 : memref<!tpu.dma_semaphore, #tpu.memory_space<semaphore_mem>>) src(%dma_wait3A_16 : memref<4096x2048xf32, #tpu.memory_space<hbm>>) dst(%arg6 : memref<32x2048xf32, #tpu.memory_space<vmem>>)
    "tpu.region"() ({
      %run_scoped3A = tpu.sem_alloc : memref<!tpu.dma_semaphore, #tpu.memory_space<semaphore_mem>>
      %dma_start3A_33 = arith.constant 0 : i32
      %dma_start3A_34 = tpu.memref_slice %arg4[%add3A_10, %dma_start3A_33] : memref<4096x2048xf32, #tpu.memory_space<hbm>> -> memref<32x2048xf32, #tpu.memory_space<hbm>>
      %dma_start3A_35 = arith.constant 0 : i32
      %dma_start3A_36 = tpu.memref_slice %arg4[%add3A_10, %dma_start3A_35] : memref<4096x2048xf32, #tpu.memory_space<hbm>> -> memref<32x2048xf32, #tpu.memory_space<hbm>>
      tpu.enqueue_dma source(%arg6 : memref<32x2048xf32, #tpu.memory_space<vmem>>) target(%dma_start3A_36 : memref<32x2048xf32, #tpu.memory_space<hbm>>) target_semaphore(%run_scoped3A : memref<!tpu.dma_semaphore, #tpu.memory_space<semaphore_mem>>)
      %dma_wait3A_37 = arith.constant 0 : i32
      %dma_wait3A_38 = tpu.memref_slice %arg4[%add3A_10, %dma_wait3A_37] : memref<4096x2048xf32, #tpu.memory_space<hbm>> -> memref<32x2048xf32, #tpu.memory_space<hbm>>
      %dma_wait3A_39 = arith.constant 0 : i32
      %dma_wait3A_40 = tpu.memref_slice %arg4[%add3A_10, %dma_wait3A_39] : memref<4096x2048xf32, #tpu.memory_space<hbm>> -> memref<32x2048xf32, #tpu.memory_space<hbm>>
      tpu.wait_dma2 semaphore(%run_scoped3A : memref<!tpu.dma_semaphore, #tpu.memory_space<semaphore_mem>>) src(%arg6 : memref<32x2048xf32, #tpu.memory_space<vmem>>) dst(%dma_wait3A_40 : memref<32x2048xf32, #tpu.memory_space<hbm>>)
      tpu.yield
    }) : () -> ()
    %add3A_17 = arith.constant 64 : i32
    %add3A_18 = arith.addi %mul3A_2, %add3A_17 : i32
    "tpu.region"() ({
      %run_scoped3A = tpu.sem_alloc : memref<!tpu.dma_semaphore, #tpu.memory_space<semaphore_mem>>
      %dma_start3A_33 = tpu.memref_slice %arg3[%add3A_18] : memref<4096xi32, #tpu.memory_space<hbm>> -> memref<32xi32, #tpu.memory_space<hbm>>
      %dma_start3A_34 = tpu.memref_slice %arg3[%add3A_18] : memref<4096xi32, #tpu.memory_space<hbm>> -> memref<32xi32, #tpu.memory_space<hbm>>
      tpu.enqueue_dma source(%dma_start3A_34 : memref<32xi32, #tpu.memory_space<hbm>>) target(%arg5 : memref<32xi32, #tpu.memory_space<vmem>>) target_semaphore(%run_scoped3A : memref<!tpu.dma_semaphore, #tpu.memory_space<semaphore_mem>>)
      %dma_wait3A_35 = tpu.memref_slice %arg3[%add3A_18] : memref<4096xi32, #tpu.memory_space<hbm>> -> memref<32xi32, #tpu.memory_space<hbm>>
      %dma_wait3A_36 = tpu.memref_slice %arg3[%add3A_18] : memref<4096xi32, #tpu.memory_space<hbm>> -> memref<32xi32, #tpu.memory_space<hbm>>
      tpu.wait_dma2 semaphore(%run_scoped3A : memref<!tpu.dma_semaphore, #tpu.memory_space<semaphore_mem>>) src(%dma_wait3A_36 : memref<32xi32, #tpu.memory_space<hbm>>) dst(%arg5 : memref<32xi32, #tpu.memory_space<vmem>>)
      tpu.yield
    }) : () -> ()
    %dma_start3A_19 = arith.constant 0 : i32
    %dma_start3A_20 = arith.constant 0 : i32
    %dma_start3A_21 = tpu.memref_slice %arg2[%dma_start3A_19, %dma_start3A_20] : memref<4096x2048xf32, #tpu.memory_space<hbm>> -> memref<4096x2048xf32, #tpu.memory_space<hbm>>
    tpu.enqueue_indirect_dma source(%dma_start3A_21 : memref<4096x2048xf32, #tpu.memory_space<hbm>>) target(%arg6 : memref<32x2048xf32, #tpu.memory_space<vmem>>) offsets(%arg5 : memref<32xi32, #tpu.memory_space<vmem>>) semaphore(%arg7 : memref<!tpu.dma_semaphore, #tpu.memory_space<semaphore_mem>>)
    %dma_wait3A_22 = arith.constant 0 : i32
    %dma_wait3A_23 = arith.constant 0 : i32
    %dma_wait3A_24 = tpu.memref_slice %arg2[%dma_wait3A_22, %dma_wait3A_23] : memref<4096x2048xf32, #tpu.memory_space<hbm>> -> memref<4096x2048xf32, #tpu.memory_space<hbm>>
    tpu.wait_indirect_dma semaphore(%arg7 : memref<!tpu.dma_semaphore, #tpu.memory_space<semaphore_mem>>) src(%dma_wait3A_24 : memref<4096x2048xf32, #tpu.memory_space<hbm>>) dst(%arg6 : memref<32x2048xf32, #tpu.memory_space<vmem>>)
    "tpu.region"() ({
      %run_scoped3A = tpu.sem_alloc : memref<!tpu.dma_semaphore, #tpu.memory_space<semaphore_mem>>
      %dma_start3A_33 = arith.constant 0 : i32
      %dma_start3A_34 = tpu.memref_slice %arg4[%add3A_18, %dma_start3A_33] : memref<4096x2048xf32, #tpu.memory_space<hbm>> -> memref<32x2048xf32, #tpu.memory_space<hbm>>
      %dma_start3A_35 = arith.constant 0 : i32
      %dma_start3A_36 = tpu.memref_slice %arg4[%add3A_18, %dma_start3A_35] : memref<4096x2048xf32, #tpu.memory_space<hbm>> -> memref<32x2048xf32, #tpu.memory_space<hbm>>
      tpu.enqueue_dma source(%arg6 : memref<32x2048xf32, #tpu.memory_space<vmem>>) target(%dma_start3A_36 : memref<32x2048xf32, #tpu.memory_space<hbm>>) target_semaphore(%run_scoped3A : memref<!tpu.dma_semaphore, #tpu.memory_space<semaphore_mem>>)
      %dma_wait3A_37 = arith.constant 0 : i32
      %dma_wait3A_38 = tpu.memref_slice %arg4[%add3A_18, %dma_wait3A_37] : memref<4096x2048xf32, #tpu.memory_space<hbm>> -> memref<32x2048xf32, #tpu.memory_space<hbm>>
      %dma_wait3A_39 = arith.constant 0 : i32
      %dma_wait3A_40 = tpu.memref_slice %arg4[%add3A_18, %dma_wait3A_39] : memref<4096x2048xf32, #tpu.memory_space<hbm>> -> memref<32x2048xf32, #tpu.memory_space<hbm>>
      tpu.wait_dma2 semaphore(%run_scoped3A : memref<!tpu.dma_semaphore, #tpu.memory_space<semaphore_mem>>) src(%arg6 : memref<32x2048xf32, #tpu.memory_space<vmem>>) dst(%dma_wait3A_40 : memref<32x2048xf32, #tpu.memory_space<hbm>>)
      tpu.yield
    }) : () -> ()
    %add3A_25 = arith.constant 96 : i32
    %add3A_26 = arith.addi %mul3A_2, %add3A_25 : i32
    "tpu.region"() ({
      %run_scoped3A = tpu.sem_alloc : memref<!tpu.dma_semaphore, #tpu.memory_space<semaphore_mem>>
      %dma_start3A_33 = tpu.memref_slice %arg3[%add3A_26] : memref<4096xi32, #tpu.memory_space<hbm>> -> memref<32xi32, #tpu.memory_space<hbm>>
      %dma_start3A_34 = tpu.memref_slice %arg3[%add3A_26] : memref<4096xi32, #tpu.memory_space<hbm>> -> memref<32xi32, #tpu.memory_space<hbm>>
      tpu.enqueue_dma source(%dma_start3A_34 : memref<32xi32, #tpu.memory_space<hbm>>) target(%arg5 : memref<32xi32, #tpu.memory_space<vmem>>) target_semaphore(%run_scoped3A : memref<!tpu.dma_semaphore, #tpu.memory_space<semaphore_mem>>)
      %dma_wait3A_35 = tpu.memref_slice %arg3[%add3A_26] : memref<4096xi32, #tpu.memory_space<hbm>> -> memref<32xi32, #tpu.memory_space<hbm>>
      %dma_wait3A_36 = tpu.memref_slice %arg3[%add3A_26] : memref<4096xi32, #tpu.memory_space<hbm>> -> memref<32xi32, #tpu.memory_space<hbm>>
      tpu.wait_dma2 semaphore(%run_scoped3A : memref<!tpu.dma_semaphore, #tpu.memory_space<semaphore_mem>>) src(%dma_wait3A_36 : memref<32xi32, #tpu.memory_space<hbm>>) dst(%arg5 : memref<32xi32, #tpu.memory_space<vmem>>)
      tpu.yield
    }) : () -> ()
    %dma_start3A_27 = arith.constant 0 : i32
    %dma_start3A_28 = arith.constant 0 : i32
    %dma_start3A_29 = tpu.memref_slice %arg2[%dma_start3A_27, %dma_start3A_28] : memref<4096x2048xf32, #tpu.memory_space<hbm>> -> memref<4096x2048xf32, #tpu.memory_space<hbm>>
    tpu.enqueue_indirect_dma source(%dma_start3A_29 : memref<4096x2048xf32, #tpu.memory_space<hbm>>) target(%arg6 : memref<32x2048xf32, #tpu.memory_space<vmem>>) offsets(%arg5 : memref<32xi32, #tpu.memory_space<vmem>>) semaphore(%arg7 : memref<!tpu.dma_semaphore, #tpu.memory_space<semaphore_mem>>)
    %dma_wait3A_30 = arith.constant 0 : i32
    %dma_wait3A_31 = arith.constant 0 : i32
    %dma_wait3A_32 = tpu.memref_slice %arg2[%dma_wait3A_30, %dma_wait3A_31] : memref<4096x2048xf32, #tpu.memory_space<hbm>> -> memref<4096x2048xf32, #tpu.memory_space<hbm>>
    tpu.wait_indirect_dma semaphore(%arg7 : memref<!tpu.dma_semaphore, #tpu.memory_space<semaphore_mem>>) src(%dma_wait3A_32 : memref<4096x2048xf32, #tpu.memory_space<hbm>>) dst(%arg6 : memref<32x2048xf32, #tpu.memory_space<vmem>>)
    "tpu.region"() ({
      %run_scoped3A = tpu.sem_alloc : memref<!tpu.dma_semaphore, #tpu.memory_space<semaphore_mem>>
      %dma_start3A_33 = arith.constant 0 : i32
      %dma_start3A_34 = tpu.memref_slice %arg4[%add3A_26, %dma_start3A_33] : memref<4096x2048xf32, #tpu.memory_space<hbm>> -> memref<32x2048xf32, #tpu.memory_space<hbm>>
      %dma_start3A_35 = arith.constant 0 : i32
      %dma_start3A_36 = tpu.memref_slice %arg4[%add3A_26, %dma_start3A_35] : memref<4096x2048xf32, #tpu.memory_space<hbm>> -> memref<32x2048xf32, #tpu.memory_space<hbm>>
      tpu.enqueue_dma source(%arg6 : memref<32x2048xf32, #tpu.memory_space<vmem>>) target(%dma_start3A_36 : memref<32x2048xf32, #tpu.memory_space<hbm>>) target_semaphore(%run_scoped3A : memref<!tpu.dma_semaphore, #tpu.memory_space<semaphore_mem>>)
      %dma_wait3A_37 = arith.constant 0 : i32
      %dma_wait3A_38 = tpu.memref_slice %arg4[%add3A_26, %dma_wait3A_37] : memref<4096x2048xf32, #tpu.memory_space<hbm>> -> memref<32x2048xf32, #tpu.memory_space<hbm>>
      %dma_wait3A_39 = arith.constant 0 : i32
      %dma_wait3A_40 = tpu.memref_slice %arg4[%add3A_26, %dma_wait3A_39] : memref<4096x2048xf32, #tpu.memory_space<hbm>> -> memref<32x2048xf32, #tpu.memory_space<hbm>>
      tpu.wait_dma2 semaphore(%run_scoped3A : memref<!tpu.dma_semaphore, #tpu.memory_space<semaphore_mem>>) src(%arg6 : memref<32x2048xf32, #tpu.memory_space<vmem>>) dst(%dma_wait3A_40 : memref<32x2048xf32, #tpu.memory_space<hbm>>)
      tpu.yield
    }) : () -> ()
    return
  }
}

module attributes {stable_mosaic.version = 14 : i64} {
  func.func @_norm_kernel(%arg0: i32, %arg1: i32, %arg2: memref<1x512x2048xf32, #tpu.memory_space<vmem>>, %arg3: memref<1x512x128xf32, #tpu.memory_space<vmem>>, %arg4: memref<1x2048xf32, #tpu.memory_space<vmem>>, %arg5: memref<1x2048xf32, #tpu.memory_space<vmem>>, %arg6: memref<1x512x2048xbf16, #tpu.memory_space<vmem>>, %arg7: memref<1x512x2048xbf16, #tpu.memory_space<vmem>>) attributes {dimension_semantics = [#tpu.dimension_semantics<arbitrary>, #tpu.dimension_semantics<arbitrary>], iteration_bounds = array<i64: 2, 4>, scalar_prefetch = 0 : i64, scratch_operands = 0 : i64, tpu.core_type = #tpu.core_type<tc>, window_params = [{transform_indices = @transform_0, window_bounds = array<i64: 1, 512, 2048>}, {transform_indices = @transform_1, window_bounds = array<i64: 1, 512, 128>}, {pipeline_mode = #tpu.pipeline_mode<synchronous>, transform_indices = @transform_2, window_bounds = array<i64: 1, 2048>}, {pipeline_mode = #tpu.pipeline_mode<synchronous>, transform_indices = @transform_3, window_bounds = array<i64: 1, 2048>}, {transform_indices = @transform_4, window_bounds = array<i64: 1, 512, 2048>}, {transform_indices = @transform_5, window_bounds = array<i64: 1, 512, 2048>}]} {
    %get3A = arith.constant 0 : index
    %get3A_0 = arith.constant 0 : index
    %get3A_1 = arith.constant 0 : index
    %get3A_2 = vector.load %arg2[%get3A, %get3A_0, %get3A_1] : memref<1x512x2048xf32, #tpu.memory_space<vmem>>, vector<1x512x2048xf32>
    %get3A_3 = vector.shape_cast %get3A_2 : vector<1x512x2048xf32> to vector<512x2048xf32>
    %mul3A = arith.mulf %get3A_3, %get3A_3 : vector<512x2048xf32>
    %reduce_sum3A = arith.constant dense<0.000000e+00> : vector<512xf32>
    %reduce_sum3A_4 = vector.multi_reduction <add>, %mul3A, %reduce_sum3A [1] : vector<512x2048xf32> to vector<512xf32>
    %broadcast_in_dim3A = vector.shape_cast %reduce_sum3A_4 : vector<512xf32> to vector<512x1xf32>
    %div3A = arith.constant 2.048000e+03 : f32
    %div3A_5 = vector.broadcast %div3A : f32 to vector<512x1xf32>
    %div3A_6 = arith.divf %broadcast_in_dim3A, %div3A_5 : vector<512x1xf32>
    %add3A = arith.constant 9.99999974E-6 : f32
    %add3A_7 = vector.broadcast %add3A : f32 to vector<512x1xf32>
    %add3A_8 = arith.addf %div3A_6, %add3A_7 : vector<512x1xf32>
    %rsqrt3A = math.rsqrt %add3A_8 : vector<512x1xf32>
    %get3A_9 = arith.constant 0 : index
    %get3A_10 = arith.constant 0 : index
    %get3A_11 = arith.constant 0 : index
    %get3A_12 = vector.load %arg3[%get3A_9, %get3A_10, %get3A_11] : memref<1x512x128xf32, #tpu.memory_space<vmem>>, vector<1x512x128xf32>
    %get3A_13 = vector.shape_cast %get3A_12 : vector<1x512x128xf32> to vector<512x128xf32>
    %reduce_max3A = arith.constant dense<0xFF800000> : vector<512xf32>
    %reduce_max3A_14 = vector.multi_reduction <maximumf>, %get3A_13, %reduce_max3A [1] : vector<512x128xf32> to vector<512xf32>
    %broadcast_in_dim3A_15 = vector.shape_cast %reduce_max3A_14 : vector<512xf32> to vector<512x1xf32>
    %sub3A = arith.constant 1.000000e+00 : f32
    %sub3A_16 = vector.broadcast %sub3A : f32 to vector<512x1xf32>
    %sub3A_17 = arith.subf %sub3A_16, %broadcast_in_dim3A_15 : vector<512x1xf32>
    %mul3A_18 = arith.mulf %rsqrt3A, %sub3A_17 : vector<512x1xf32>
    %mul3A_19 = vector.broadcast %mul3A_18 : vector<512x1xf32> to vector<512x2048xf32>
    %mul3A_20 = arith.mulf %get3A_3, %mul3A_19 : vector<512x2048xf32>
    %mul3A_21 = arith.mulf %rsqrt3A, %broadcast_in_dim3A_15 : vector<512x1xf32>
    %mul3A_22 = vector.broadcast %mul3A_21 : vector<512x1xf32> to vector<512x2048xf32>
    %mul3A_23 = arith.mulf %get3A_3, %mul3A_22 : vector<512x2048xf32>
    %get3A_24 = arith.constant 0 : index
    %get3A_25 = arith.constant 0 : index
    %get3A_26 = vector.load %arg4[%get3A_24, %get3A_25] : memref<1x2048xf32, #tpu.memory_space<vmem>>, vector<1x2048xf32>
    %mul3A_27 = vector.broadcast %get3A_26 : vector<1x2048xf32> to vector<512x2048xf32>
    %mul3A_28 = arith.mulf %mul3A_20, %mul3A_27 : vector<512x2048xf32>
    %convert_element_type3A = arith.truncf %mul3A_28 : vector<512x2048xf32> to vector<512x2048xbf16>
    %swap3A = arith.constant 0 : index
    %swap3A_29 = arith.constant 0 : index
    %swap3A_30 = arith.constant 0 : index
    %swap3A_31 = vector.load %arg6[%swap3A, %swap3A_29, %swap3A_30] : memref<1x512x2048xbf16, #tpu.memory_space<vmem>>, vector<1x512x2048xbf16>
    %swap3A_32 = vector.shape_cast %swap3A_31 : vector<1x512x2048xbf16> to vector<512x2048xbf16>
    %swap3A_33 = vector.shape_cast %convert_element_type3A : vector<512x2048xbf16> to vector<1x512x2048xbf16>
    tpu.vector_store %arg6[%swap3A, %swap3A_29, %swap3A_30], %swap3A_33 {strides = array<i32>} : memref<1x512x2048xbf16, #tpu.memory_space<vmem>>, vector<1x512x2048xbf16>,
    %get3A_34 = arith.constant 0 : index
    %get3A_35 = arith.constant 0 : index
    %get3A_36 = vector.load %arg5[%get3A_34, %get3A_35] : memref<1x2048xf32, #tpu.memory_space<vmem>>, vector<1x2048xf32>
    %mul3A_37 = vector.broadcast %get3A_36 : vector<1x2048xf32> to vector<512x2048xf32>
    %mul3A_38 = arith.mulf %mul3A_23, %mul3A_37 : vector<512x2048xf32>
    %convert_element_type3A_39 = arith.truncf %mul3A_38 : vector<512x2048xf32> to vector<512x2048xbf16>
    %swap3A_40 = arith.constant 0 : index
    %swap3A_41 = arith.constant 0 : index
    %swap3A_42 = arith.constant 0 : index
    %swap3A_43 = vector.load %arg7[%swap3A_40, %swap3A_41, %swap3A_42] : memref<1x512x2048xbf16, #tpu.memory_space<vmem>>, vector<1x512x2048xbf16>
    %swap3A_44 = vector.shape_cast %swap3A_43 : vector<1x512x2048xbf16> to vector<512x2048xbf16>
    %swap3A_45 = vector.shape_cast %convert_element_type3A_39 : vector<512x2048xbf16> to vector<1x512x2048xbf16>
    tpu.vector_store %arg7[%swap3A_40, %swap3A_41, %swap3A_42], %swap3A_45 {strides = array<i32>} : memref<1x512x2048xbf16, #tpu.memory_space<vmem>>, vector<1x512x2048xbf16>,
    return
  }
  func.func @transform_0(%arg0: i32, %arg1: i32) -> (i32, i32, i32) {
    %c0_i32 = arith.constant 0 : i32
    %c0_i32_0 = arith.constant 0 : i32
    return %arg0, %arg1, %c0_i32 : i32, i32, i32
  }
  func.func @transform_1(%arg0: i32, %arg1: i32) -> (i32, i32, i32) {
    %c0_i32 = arith.constant 0 : i32
    %c0_i32_0 = arith.constant 0 : i32
    return %arg0, %arg1, %c0_i32 : i32, i32, i32
  }
  func.func @transform_2(%arg0: i32, %arg1: i32) -> (i32, i32) {
    %c0_i32 = arith.constant 0 : i32
    %c0_i32_0 = arith.constant 0 : i32
    %c0_i32_1 = arith.constant 0 : i32
    return %c0_i32, %c0_i32_0 : i32, i32
  }
  func.func @transform_3(%arg0: i32, %arg1: i32) -> (i32, i32) {
    %c0_i32 = arith.constant 0 : i32
    %c0_i32_0 = arith.constant 0 : i32
    %c0_i32_1 = arith.constant 0 : i32
    return %c0_i32, %c0_i32_0 : i32, i32
  }
  func.func @transform_4(%arg0: i32, %arg1: i32) -> (i32, i32, i32) {
    %c0_i32 = arith.constant 0 : i32
    %c0_i32_0 = arith.constant 0 : i32
    return %arg0, %arg1, %c0_i32 : i32, i32, i32
  }
  func.func @transform_5(%arg0: i32, %arg1: i32) -> (i32, i32, i32) {
    %c0_i32 = arith.constant 0 : i32
    %c0_i32_0 = arith.constant 0 : i32
    return %arg0, %arg1, %c0_i32 : i32, i32, i32
  }
}

module attributes {stable_mosaic.version = 14 : i64} {
  func.func @_proj_kernel(%arg0: i32, %arg1: i32, %arg2: i32, %arg3: memref<1x1024x2048xbf16, #tpu.memory_space<vmem>>, %arg4: memref<1x1024x2048xbf16, #tpu.memory_space<vmem>>, %arg5: memref<512x2048xbf16, #tpu.memory_space<vmem>>, %arg6: memref<512x2048xbf16, #tpu.memory_space<vmem>>, %arg7: memref<1x1024x128xf32, #tpu.memory_space<vmem>>, %arg8: memref<1x1024x128xf32, #tpu.memory_space<vmem>>, %arg9: memref<1x1024x512xbf16, #tpu.memory_space<vmem>>) attributes {dimension_semantics = [#tpu.dimension_semantics<arbitrary>, #tpu.dimension_semantics<arbitrary>, #tpu.dimension_semantics<arbitrary>], iteration_bounds = array<i64: 2, 2, 12>, scalar_prefetch = 0 : i64, scratch_operands = 0 : i64, tpu.core_type = #tpu.core_type<tc>, window_params = [{transform_indices = @transform_0, window_bounds = array<i64: 1, 1024, 2048>}, {transform_indices = @transform_1, window_bounds = array<i64: 1, 1024, 2048>}, {transform_indices = @transform_2, window_bounds = array<i64: 512, 2048>}, {transform_indices = @transform_3, window_bounds = array<i64: 512, 2048>}, {transform_indices = @transform_4, window_bounds = array<i64: 1, 1024, 128>}, {transform_indices = @transform_5, window_bounds = array<i64: 1, 1024, 128>}, {transform_indices = @transform_6, window_bounds = array<i64: 1, 1024, 512>}]} {
    %get3A = arith.constant 0 : index
    %get3A_0 = arith.constant 0 : index
    %get3A_1 = arith.constant 0 : index
    %get3A_2 = vector.load %arg3[%get3A, %get3A_0, %get3A_1] : memref<1x1024x2048xbf16, #tpu.memory_space<vmem>>, vector<1x1024x2048xbf16>
    %get3A_3 = vector.shape_cast %get3A_2 : vector<1x1024x2048xbf16> to vector<1024x2048xbf16>
    %get3A_4 = arith.constant 0 : index
    %get3A_5 = arith.constant 0 : index
    %get3A_6 = arith.constant 0 : index
    %get3A_7 = vector.load %arg4[%get3A_4, %get3A_5, %get3A_6] : memref<1x1024x2048xbf16, #tpu.memory_space<vmem>>, vector<1x1024x2048xbf16>
    %get3A_8 = vector.shape_cast %get3A_7 : vector<1x1024x2048xbf16> to vector<1024x2048xbf16>
    %get3A_9 = arith.constant 0 : index
    %get3A_10 = arith.constant 0 : index
    %get3A_11 = vector.load %arg5[%get3A_9, %get3A_10] : memref<512x2048xbf16, #tpu.memory_space<vmem>>, vector<512x2048xbf16>
    %dot_general3A = arith.constant dense<0.000000e+00> : vector<1024x512xf32>
    %dot_general3A_12 = tpu.matmul %get3A_3, %get3A_11, %dot_general3A {dimension_numbers = #tpu.dot_dimension_numbers<[1], [1], [0], [0], [0, 0, 1, 0], [], []>, transpose_lhs_hint = false} : vector<1024x2048xbf16>, vector<512x2048xbf16>, vector<1024x512xf32> -> vector<1024x512xf32>
    %get3A_13 = arith.constant 0 : index
    %get3A_14 = arith.constant 0 : index
    %get3A_15 = vector.load %arg6[%get3A_13, %get3A_14] : memref<512x2048xbf16, #tpu.memory_space<vmem>>, vector<512x2048xbf16>
    %dot_general3A_16 = arith.constant dense<0.000000e+00> : vector<1024x512xf32>
    %dot_general3A_17 = tpu.matmul %get3A_8, %get3A_15, %dot_general3A_16 {dimension_numbers = #tpu.dot_dimension_numbers<[1], [1], [0], [0], [0, 0, 1, 0], [], []>, transpose_lhs_hint = false} : vector<1024x2048xbf16>, vector<512x2048xbf16>, vector<1024x512xf32> -> vector<1024x512xf32>
    %add3A = arith.addf %dot_general3A_12, %dot_general3A_17 : vector<1024x512xf32>
    %iota3A = tpu.iota {dimensions = array<i32: 0>} : vector<512x512xi32>
    %iota3A_18 = tpu.iota {dimensions = array<i32: 1>} : vector<512x512xi32>
    %xor3A = arith.constant 1 : i32
    %xor3A_19 = vector.broadcast %xor3A : i32 to vector<512x512xi32>
    %xor3A_20 = arith.xori %iota3A, %xor3A_19 : vector<512x512xi32>
    %eq3A = arith.cmpi eq, %xor3A_20, %iota3A_18 : vector<512x512xi32>
    %convert_element_type3A = arith.extui %eq3A : vector<512x512xi1> to vector<512x512xi32>
    %convert_element_type3A_21 = arith.sitofp %convert_element_type3A : vector<512x512xi32> to vector<512x512xf32>
    %convert_element_type3A_22 = arith.truncf %convert_element_type3A_21 : vector<512x512xf32> to vector<512x512xbf16>
    %convert_element_type3A_23 = arith.truncf %add3A : vector<1024x512xf32> to vector<1024x512xbf16>
    %dot_general3A_24 = arith.constant dense<0.000000e+00> : vector<1024x512xf32>
    %dot_general3A_25 = tpu.matmul %convert_element_type3A_23, %convert_element_type3A_22, %dot_general3A_24 {dimension_numbers = #tpu.dot_dimension_numbers<[1], [0], [0], [1], [0, 0, 1, 1], [], []>, transpose_lhs_hint = false} : vector<1024x512xbf16>, vector<512x512xbf16>, vector<1024x512xf32> -> vector<1024x512xf32>
    %get3A_26 = arith.constant 0 : index
    %get3A_27 = arith.constant 0 : index
    %get3A_28 = arith.constant 0 : index
    %get3A_29 = vector.load %arg7[%get3A_26, %get3A_27, %get3A_28] : memref<1x1024x128xf32, #tpu.memory_space<vmem>>, vector<1x1024x128xf32>
    %get3A_30 = vector.shape_cast %get3A_29 : vector<1x1024x128xf32> to vector<1024x128xf32>
    %concatenate3A = tpu.concatenate %get3A_30, %get3A_30, %get3A_30, %get3A_30 in 1 : vector<1024x128xf32>, vector<1024x128xf32>, vector<1024x128xf32>, vector<1024x128xf32> -> vector<1024x512xf32>
    %get3A_31 = arith.constant 0 : index
    %get3A_32 = arith.constant 0 : index
    %get3A_33 = arith.constant 0 : index
    %get3A_34 = vector.load %arg8[%get3A_31, %get3A_32, %get3A_33] : memref<1x1024x128xf32, #tpu.memory_space<vmem>>, vector<1x1024x128xf32>
    %get3A_35 = vector.shape_cast %get3A_34 : vector<1x1024x128xf32> to vector<1024x128xf32>
    %concatenate3A_36 = tpu.concatenate %get3A_35, %get3A_35, %get3A_35, %get3A_35 in 1 : vector<1024x128xf32>, vector<1024x128xf32>, vector<1024x128xf32>, vector<1024x128xf32> -> vector<1024x512xf32>
    %mul3A = arith.mulf %add3A, %concatenate3A : vector<1024x512xf32>
    %mul3A_37 = arith.mulf %dot_general3A_25, %concatenate3A_36 : vector<1024x512xf32>
    %add3A_38 = arith.addf %mul3A, %mul3A_37 : vector<1024x512xf32>
    %convert_element_type3A_39 = arith.truncf %add3A_38 : vector<1024x512xf32> to vector<1024x512xbf16>
    %swap3A = arith.constant 0 : index
    %swap3A_40 = arith.constant 0 : index
    %swap3A_41 = arith.constant 0 : index
    %swap3A_42 = vector.load %arg9[%swap3A, %swap3A_40, %swap3A_41] : memref<1x1024x512xbf16, #tpu.memory_space<vmem>>, vector<1x1024x512xbf16>
    %swap3A_43 = vector.shape_cast %swap3A_42 : vector<1x1024x512xbf16> to vector<1024x512xbf16>
    %swap3A_44 = vector.shape_cast %convert_element_type3A_39 : vector<1024x512xbf16> to vector<1x1024x512xbf16>
    tpu.vector_store %arg9[%swap3A, %swap3A_40, %swap3A_41], %swap3A_44 {strides = array<i32>} : memref<1x1024x512xbf16, #tpu.memory_space<vmem>>, vector<1x1024x512xbf16>,
    return
  }
  func.func @transform_0(%arg0: i32, %arg1: i32, %arg2: i32) -> (i32, i32, i32) {
    %c0_i32 = arith.constant 0 : i32
    %c0_i32_0 = arith.constant 0 : i32
    return %arg0, %arg1, %c0_i32 : i32, i32, i32
  }
  func.func @transform_1(%arg0: i32, %arg1: i32, %arg2: i32) -> (i32, i32, i32) {
    %c0_i32 = arith.constant 0 : i32
    %c0_i32_0 = arith.constant 0 : i32
    return %arg0, %arg1, %c0_i32 : i32, i32, i32
  }
  func.func @transform_2(%arg0: i32, %arg1: i32, %arg2: i32) -> (i32, i32) {
    %c0_i32 = arith.constant 0 : i32
    %c0_i32_0 = arith.constant 0 : i32
    return %arg2, %c0_i32 : i32, i32
  }
  func.func @transform_3(%arg0: i32, %arg1: i32, %arg2: i32) -> (i32, i32) {
    %c0_i32 = arith.constant 0 : i32
    %c0_i32_0 = arith.constant 0 : i32
    return %arg2, %c0_i32 : i32, i32
  }
  func.func @transform_4(%arg0: i32, %arg1: i32, %arg2: i32) -> (i32, i32, i32) {
    %jit3A = arith.constant 4 : i32
    %div3A = arith.divsi %arg2, %jit3A : i32
    %sign3A = arith.constant 0 : i32
    %sign3A_0 = arith.cmpi sgt, %arg2, %sign3A : i32
    %sign3A_1 = arith.extui %sign3A_0 : i1 to i32
    %sign3A_2 = arith.constant 0 : i32
    %sign3A_3 = arith.cmpi slt, %arg2, %sign3A_2 : i32
    %sign3A_4 = arith.extui %sign3A_3 : i1 to i32
    %sign3A_5 = arith.subi %sign3A_1, %sign3A_4 : i32
    %sign3A_6 = arith.constant 0 : i32
    %sign3A_7 = arith.cmpi sgt, %jit3A, %sign3A_6 : i32
    %sign3A_8 = arith.extui %sign3A_7 : i1 to i32
    %sign3A_9 = arith.constant 0 : i32
    %sign3A_10 = arith.cmpi slt, %jit3A, %sign3A_9 : i32
    %sign3A_11 = arith.extui %sign3A_10 : i1 to i32
    %sign3A_12 = arith.subi %sign3A_8, %sign3A_11 : i32
    %ne3A = arith.cmpi ne, %sign3A_5, %sign3A_12 : i32
    %rem3A = arith.remsi %arg2, %jit3A : i32
    %ne3A_13 = arith.constant 0 : i32
    %ne3A_14 = arith.cmpi ne, %rem3A, %ne3A_13 : i32
    %and3A = arith.andi %ne3A, %ne3A_14 : i1
    %sub3A = arith.constant 1 : i32
    %sub3A_15 = arith.subi %div3A, %sub3A : i32
    %select_n3A = arith.select %and3A, %sub3A_15, %div3A : i32
    %c0_i32 = arith.constant 0 : i32
    %c0_i32_16 = arith.constant 0 : i32
    return %select_n3A, %arg1, %c0_i32 : i32, i32, i32
  }
  func.func @transform_5(%arg0: i32, %arg1: i32, %arg2: i32) -> (i32, i32, i32) {
    %jit3A = arith.constant 4 : i32
    %div3A = arith.divsi %arg2, %jit3A : i32
    %sign3A = arith.constant 0 : i32
    %sign3A_0 = arith.cmpi sgt, %arg2, %sign3A : i32
    %sign3A_1 = arith.extui %sign3A_0 : i1 to i32
    %sign3A_2 = arith.constant 0 : i32
    %sign3A_3 = arith.cmpi slt, %arg2, %sign3A_2 : i32
    %sign3A_4 = arith.extui %sign3A_3 : i1 to i32
    %sign3A_5 = arith.subi %sign3A_1, %sign3A_4 : i32
    %sign3A_6 = arith.constant 0 : i32
    %sign3A_7 = arith.cmpi sgt, %jit3A, %sign3A_6 : i32
    %sign3A_8 = arith.extui %sign3A_7 : i1 to i32
    %sign3A_9 = arith.constant 0 : i32
    %sign3A_10 = arith.cmpi slt, %jit3A, %sign3A_9 : i32
    %sign3A_11 = arith.extui %sign3A_10 : i1 to i32
    %sign3A_12 = arith.subi %sign3A_8, %sign3A_11 : i32
    %ne3A = arith.cmpi ne, %sign3A_5, %sign3A_12 : i32
    %rem3A = arith.remsi %arg2, %jit3A : i32
    %ne3A_13 = arith.constant 0 : i32
    %ne3A_14 = arith.cmpi ne, %rem3A, %ne3A_13 : i32
    %and3A = arith.andi %ne3A, %ne3A_14 : i1
    %sub3A = arith.constant 1 : i32
    %sub3A_15 = arith.subi %div3A, %sub3A : i32
    %select_n3A = arith.select %and3A, %sub3A_15, %div3A : i32
    %c0_i32 = arith.constant 0 : i32
    %c0_i32_16 = arith.constant 0 : i32
    return %select_n3A, %arg1, %c0_i32 : i32, i32, i32
  }
  func.func @transform_6(%arg0: i32, %arg1: i32, %arg2: i32) -> (i32, i32, i32) {
    %c0_i32 = arith.constant 0 : i32
    return %arg0, %arg1, %arg2 : i32, i32, i32
  }
}

module attributes {stable_mosaic.version = 14 : i64} {
  func.func @_attn_kernel(%arg0: i32, %arg1: i32, %arg2: i32, %arg3: memref<3xi32, #tpu.memory_space<smem>>, %arg4: memref<3xi32, #tpu.memory_space<smem>>, %arg5: memref<1x1024x128xbf16, #tpu.memory_space<vmem>>, %arg6: memref<1x1024x128xbf16, #tpu.memory_space<vmem>>, %arg7: memref<1x1024x128xbf16, #tpu.memory_space<vmem>>, %arg8: memref<1x1024x128xbf16, #tpu.memory_space<vmem>>, %arg9: memref<1024x128xf32, #tpu.memory_space<vmem>>, %arg10: memref<1024x128xf32, #tpu.memory_space<vmem>>, %arg11: memref<1024x128xf32, #tpu.memory_space<vmem>>) attributes {dimension_semantics = [#tpu.dimension_semantics<arbitrary>, #tpu.dimension_semantics<arbitrary>, #tpu.dimension_semantics<arbitrary>], iteration_bounds = array<i64: 2, 16, 3>, scalar_prefetch = 2 : i64, scratch_operands = 3 : i64, tpu.core_type = #tpu.core_type<tc>, window_params = [{transform_indices = @transform_0, window_bounds = array<i64: 1, 1024, 128>}, {transform_indices = @transform_1, window_bounds = array<i64: 1, 1024, 128>}, {transform_indices = @transform_2, window_bounds = array<i64: 1, 1024, 128>}, {transform_indices = @transform_3, window_bounds = array<i64: 1, 1024, 128>}]} {
    %get3A = arith.index_cast %arg2 : i32 to index
    %get3A_0 = memref.load %arg3[%get3A] : memref<3xi32, #tpu.memory_space<smem>>
    %get3A_1 = arith.index_cast %arg2 : i32 to index
    %get3A_2 = memref.load %arg4[%get3A_1] : memref<3xi32, #tpu.memory_space<smem>>
    %get3A_3 = arith.constant 0 : index
    %get3A_4 = arith.constant 0 : index
    %get3A_5 = arith.constant 0 : index
    %get3A_6 = vector.load %arg5[%get3A_3, %get3A_4, %get3A_5] : memref<1x1024x128xbf16, #tpu.memory_space<vmem>>, vector<1x1024x128xbf16>
    %get3A_7 = vector.shape_cast %get3A_6 : vector<1x1024x128xbf16> to vector<1024x128xbf16>
    %get3A_8 = arith.constant 0 : index
    %get3A_9 = arith.constant 0 : index
    %get3A_10 = arith.constant 0 : index
    %get3A_11 = vector.load %arg6[%get3A_8, %get3A_9, %get3A_10] : memref<1x1024x128xbf16, #tpu.memory_space<vmem>>, vector<1x1024x128xbf16>
    %get3A_12 = vector.shape_cast %get3A_11 : vector<1x1024x128xbf16> to vector<1024x128xbf16>
    %dot_general3A = arith.constant dense<0.000000e+00> : vector<1024x1024xf32>
    %dot_general3A_13 = tpu.matmul %get3A_7, %get3A_12, %dot_general3A {dimension_numbers = #tpu.dot_dimension_numbers<[1], [1], [0], [0], [0, 0, 1, 0], [], []>, transpose_lhs_hint = false} : vector<1024x128xbf16>, vector<1024x128xbf16>, vector<1024x1024xf32> -> vector<1024x1024xf32>
    %iota3A = tpu.iota {dimensions = array<i32: 0>} : vector<1024x1024xi32>
    %iota3A_14 = tpu.iota {dimensions = array<i32: 1>} : vector<1024x1024xi32>
    %eq3A = arith.cmpi eq, %get3A_0, %get3A_2 : i32
    %gt3A = arith.cmpi sgt, %iota3A_14, %iota3A : vector<1024x1024xi32>
    %and3A = vector.broadcast %eq3A : i1 to vector<1024x1024xi1>
    %and3A_15 = arith.andi %and3A, %gt3A : vector<1024x1024xi1>
    %jit3A = arith.constant -1.000000e+09 : f32
    %broadcast_in_dim3A = vector.broadcast %jit3A : f32 to vector<1024x1024xf32>
    %select_n3A = arith.select %and3A_15, %broadcast_in_dim3A, %dot_general3A_13 : vector<1024x1024xi1>, vector<1024x1024xf32>
    %eq3A_16 = arith.constant 0 : i32
    %eq3A_17 = arith.cmpi eq, %get3A_2, %eq3A_16 : i32
    %get3A_18 = arith.constant 0 : index
    %get3A_19 = arith.constant 0 : index
    %get3A_20 = vector.load %arg10[%get3A_18, %get3A_19] : memref<1024x128xf32, #tpu.memory_space<vmem>>, vector<1024x128xf32>
    %reduce_max3A = arith.constant dense<0xFF800000> : vector<1024xf32>
    %reduce_max3A_21 = vector.multi_reduction <maximumf>, %get3A_20, %reduce_max3A [1] : vector<1024x128xf32> to vector<1024xf32>
    %broadcast_in_dim3A_22 = vector.shape_cast %reduce_max3A_21 : vector<1024xf32> to vector<1024x1xf32>
    %jit3A_23 = arith.constant -3.000000e+38 : f32
    %broadcast_in_dim3A_24 = vector.broadcast %jit3A_23 : f32 to vector<1024x1xf32>
    %select_n3A_25 = arith.select %eq3A_17, %broadcast_in_dim3A_24, %broadcast_in_dim3A_22 : vector<1024x1xf32>
    %get3A_26 = arith.constant 0 : index
    %get3A_27 = arith.constant 0 : index
    %get3A_28 = vector.load %arg11[%get3A_26, %get3A_27] : memref<1024x128xf32, #tpu.memory_space<vmem>>, vector<1024x128xf32>
    %reduce_max3A_29 = arith.constant dense<0xFF800000> : vector<1024xf32>
    %reduce_max3A_30 = vector.multi_reduction <maximumf>, %get3A_28, %reduce_max3A_29 [1] : vector<1024x128xf32> to vector<1024xf32>
    %broadcast_in_dim3A_31 = vector.shape_cast %reduce_max3A_30 : vector<1024xf32> to vector<1024x1xf32>
    %jit3A_32 = arith.constant 0.000000e+00 : f32
    %broadcast_in_dim3A_33 = vector.broadcast %jit3A_32 : f32 to vector<1024x1xf32>
    %select_n3A_34 = arith.select %eq3A_17, %broadcast_in_dim3A_33, %broadcast_in_dim3A_31 : vector<1024x1xf32>
    %get3A_35 = arith.constant 0 : index
    %get3A_36 = arith.constant 0 : index
    %get3A_37 = vector.load %arg9[%get3A_35, %get3A_36] : memref<1024x128xf32, #tpu.memory_space<vmem>>, vector<1024x128xf32>
    %jit3A_38 = arith.constant 0.000000e+00 : f32
    %broadcast_in_dim3A_39 = vector.broadcast %jit3A_38 : f32 to vector<1024x128xf32>
    %select_n3A_40 = arith.select %eq3A_17, %broadcast_in_dim3A_39, %get3A_37 : vector<1024x128xf32>
    %reduce_max3A_41 = arith.constant dense<0xFF800000> : vector<1024xf32>
    %reduce_max3A_42 = vector.multi_reduction <maximumf>, %select_n3A, %reduce_max3A_41 [1] : vector<1024x1024xf32> to vector<1024xf32>
    %broadcast_in_dim3A_43 = vector.shape_cast %reduce_max3A_42 : vector<1024xf32> to vector<1024x1xf32>
    %max3A = arith.maximumf %select_n3A_25, %broadcast_in_dim3A_43 : vector<1024x1xf32>
    %sub3A = vector.broadcast %max3A : vector<1024x1xf32> to vector<1024x1024xf32>
    %sub3A_44 = arith.subf %select_n3A, %sub3A : vector<1024x1024xf32>
    %exp3A = math.exp %sub3A_44 : vector<1024x1024xf32>
    %sub3A_45 = arith.subf %select_n3A_25, %max3A : vector<1024x1xf32>
    %exp3A_46 = math.exp %sub3A_45 : vector<1024x1xf32>
    %mul3A = arith.mulf %select_n3A_34, %exp3A_46 : vector<1024x1xf32>
    %reduce_sum3A = arith.constant dense<0.000000e+00> : vector<1024xf32>
    %reduce_sum3A_47 = vector.multi_reduction <add>, %exp3A, %reduce_sum3A [1] : vector<1024x1024xf32> to vector<1024xf32>
    %broadcast_in_dim3A_48 = vector.shape_cast %reduce_sum3A_47 : vector<1024xf32> to vector<1024x1xf32>
    %add3A = arith.addf %mul3A, %broadcast_in_dim3A_48 : vector<1024x1xf32>
    %convert_element_type3A = arith.truncf %exp3A : vector<1024x1024xf32> to vector<1024x1024xbf16>
    %get3A_49 = arith.constant 0 : index
    %get3A_50 = arith.constant 0 : index
    %get3A_51 = arith.constant 0 : index
    %get3A_52 = vector.load %arg7[%get3A_49, %get3A_50, %get3A_51] : memref<1x1024x128xbf16, #tpu.memory_space<vmem>>, vector<1x1024x128xbf16>
    %get3A_53 = vector.shape_cast %get3A_52 : vector<1x1024x128xbf16> to vector<1024x128xbf16>
    %dot_general3A_54 = arith.constant dense<0.000000e+00> : vector<1024x128xf32>
    %dot_general3A_55 = tpu.matmul %convert_element_type3A, %get3A_53, %dot_general3A_54 {dimension_numbers = #tpu.dot_dimension_numbers<[1], [0], [0], [1], [0, 0, 1, 1], [], []>, transpose_lhs_hint = false} : vector<1024x1024xbf16>, vector<1024x128xbf16>, vector<1024x128xf32> -> vector<1024x128xf32>
    %mul3A_56 = vector.broadcast %exp3A_46 : vector<1024x1xf32> to vector<1024x128xf32>
    %mul3A_57 = arith.mulf %select_n3A_40, %mul3A_56 : vector<1024x128xf32>
    %add3A_58 = arith.addf %mul3A_57, %dot_general3A_55 : vector<1024x128xf32>
    %broadcast_in_dim3A_59 = vector.shape_cast %max3A : vector<1024x1xf32> to vector<1024x1xf32>
    %broadcast_in_dim3A_60 = vector.broadcast %broadcast_in_dim3A_59 : vector<1024x1xf32> to vector<1024x128xf32>
    %swap3A = arith.constant 0 : index
    %swap3A_61 = arith.constant 0 : index
    %swap3A_62 = vector.load %arg10[%swap3A, %swap3A_61] : memref<1024x128xf32, #tpu.memory_space<vmem>>, vector<1024x128xf32>
    tpu.vector_store %arg10[%swap3A, %swap3A_61], %broadcast_in_dim3A_60 {strides = array<i32>} : memref<1024x128xf32, #tpu.memory_space<vmem>>, vector<1024x128xf32>,
    %broadcast_in_dim3A_63 = vector.shape_cast %add3A : vector<1024x1xf32> to vector<1024x1xf32>
    %broadcast_in_dim3A_64 = vector.broadcast %broadcast_in_dim3A_63 : vector<1024x1xf32> to vector<1024x128xf32>
    %swap3A_65 = arith.constant 0 : index
    %swap3A_66 = arith.constant 0 : index
    %swap3A_67 = vector.load %arg11[%swap3A_65, %swap3A_66] : memref<1024x128xf32, #tpu.memory_space<vmem>>, vector<1024x128xf32>
    tpu.vector_store %arg11[%swap3A_65, %swap3A_66], %broadcast_in_dim3A_64 {strides = array<i32>} : memref<1024x128xf32, #tpu.memory_space<vmem>>, vector<1024x128xf32>,
    %swap3A_68 = arith.constant 0 : index
    %swap3A_69 = arith.constant 0 : index
    %swap3A_70 = vector.load %arg9[%swap3A_68, %swap3A_69] : memref<1024x128xf32, #tpu.memory_space<vmem>>, vector<1024x128xf32>
    tpu.vector_store %arg9[%swap3A_68, %swap3A_69], %add3A_58 {strides = array<i32>} : memref<1024x128xf32, #tpu.memory_space<vmem>>, vector<1024x128xf32>,
    %eq3A_71 = arith.cmpi eq, %get3A_0, %get3A_2 : i32
    %convert_element_type3A_72 = arith.extui %eq3A_71 : i1 to i32
    %cond3A = arith.constant 0 : i32
    %cond3A_73 = arith.cmpi ne, %convert_element_type3A_72, %cond3A : i32
    scf.if %cond3A_73 {
      %div3A = vector.broadcast %add3A : vector<1024x1xf32> to vector<1024x128xf32>
      %div3A_74 = arith.divf %add3A_58, %div3A : vector<1024x128xf32>
      %convert_element_type3A_75 = arith.truncf %div3A_74 : vector<1024x128xf32> to vector<1024x128xbf16>
      %swap3A_76 = arith.constant 0 : index
      %swap3A_77 = arith.constant 0 : index
      %swap3A_78 = arith.constant 0 : index
      %swap3A_79 = vector.load %arg8[%swap3A_76, %swap3A_77, %swap3A_78] : memref<1x1024x128xbf16, #tpu.memory_space<vmem>>, vector<1x1024x128xbf16>
      %swap3A_80 = vector.shape_cast %swap3A_79 : vector<1x1024x128xbf16> to vector<1024x128xbf16>
      %swap3A_81 = vector.shape_cast %convert_element_type3A_75 : vector<1024x128xbf16> to vector<1x1024x128xbf16>
      tpu.vector_store %arg8[%swap3A_76, %swap3A_77, %swap3A_78], %swap3A_81 {strides = array<i32>} : memref<1x1024x128xbf16, #tpu.memory_space<vmem>>, vector<1x1024x128xbf16>,
    } else {
    }
    return
  }
  func.func @transform_0(%arg0: i32, %arg1: i32, %arg2: i32, %arg3: memref<3xi32, #tpu.memory_space<smem>>, %arg4: memref<3xi32, #tpu.memory_space<smem>>) -> (i32, i32, i32) {
    %get3A = arith.index_cast %arg2 : i32 to index
    %get3A_0 = memref.load %arg3[%get3A] : memref<3xi32, #tpu.memory_space<smem>>
    %c0_i32 = arith.constant 0 : i32
    return %arg0, %get3A_0, %arg1 : i32, i32, i32
  }
  func.func @transform_1(%arg0: i32, %arg1: i32, %arg2: i32, %arg3: memref<3xi32, #tpu.memory_space<smem>>, %arg4: memref<3xi32, #tpu.memory_space<smem>>) -> (i32, i32, i32) {
    %get3A = arith.index_cast %arg2 : i32 to index
    %get3A_0 = memref.load %arg4[%get3A] : memref<3xi32, #tpu.memory_space<smem>>
    %add3A = arith.constant 16 : i32
    %add3A_1 = arith.addi %add3A, %arg1 : i32
    %c0_i32 = arith.constant 0 : i32
    return %arg0, %get3A_0, %add3A_1 : i32, i32, i32
  }
  func.func @transform_2(%arg0: i32, %arg1: i32, %arg2: i32, %arg3: memref<3xi32, #tpu.memory_space<smem>>, %arg4: memref<3xi32, #tpu.memory_space<smem>>) -> (i32, i32, i32) {
    %get3A = arith.index_cast %arg2 : i32 to index
    %get3A_0 = memref.load %arg4[%get3A] : memref<3xi32, #tpu.memory_space<smem>>
    %add3A = arith.constant 32 : i32
    %add3A_1 = arith.addi %add3A, %arg1 : i32
    %c0_i32 = arith.constant 0 : i32
    return %arg0, %get3A_0, %add3A_1 : i32, i32, i32
  }
  func.func @transform_3(%arg0: i32, %arg1: i32, %arg2: i32, %arg3: memref<3xi32, #tpu.memory_space<smem>>, %arg4: memref<3xi32, #tpu.memory_space<smem>>) -> (i32, i32, i32) {
    %get3A = arith.index_cast %arg2 : i32 to index
    %get3A_0 = memref.load %arg3[%get3A] : memref<3xi32, #tpu.memory_space<smem>>
    %c0_i32 = arith.constant 0 : i32
    return %arg0, %get3A_0, %arg1 : i32, i32, i32
  }
}

module attributes {stable_mosaic.version = 14 : i64} {
  func.func @_out_kernel(%arg0: i32, %arg1: i32, %arg2: i32, %arg3: memref<1x1024x2048xbf16, #tpu.memory_space<vmem>>, %arg4: memref<1x1024x128xf32, #tpu.memory_space<vmem>>, %arg5: memref<512x2048xf32, #tpu.memory_space<vmem>>, %arg6: memref<512x2048xf32, #tpu.memory_space<vmem>>, %arg7: memref<1x1024x512xf32, #tpu.memory_space<vmem>>) attributes {dimension_semantics = [#tpu.dimension_semantics<arbitrary>, #tpu.dimension_semantics<arbitrary>, #tpu.dimension_semantics<arbitrary>], iteration_bounds = array<i64: 2, 2, 4>, scalar_prefetch = 0 : i64, scratch_operands = 0 : i64, tpu.core_type = #tpu.core_type<tc>, window_params = [{transform_indices = @transform_0, window_bounds = array<i64: 1, 1024, 2048>}, {transform_indices = @transform_1, window_bounds = array<i64: 1, 1024, 128>}, {transform_indices = @transform_2, window_bounds = array<i64: 512, 2048>}, {transform_indices = @transform_3, window_bounds = array<i64: 512, 2048>}, {transform_indices = @transform_4, window_bounds = array<i64: 1, 1024, 512>}]} {
    %get3A = arith.constant 0 : index
    %get3A_0 = arith.constant 0 : index
    %get3A_1 = arith.constant 0 : index
    %get3A_2 = vector.load %arg3[%get3A, %get3A_0, %get3A_1] : memref<1x1024x2048xbf16, #tpu.memory_space<vmem>>, vector<1x1024x2048xbf16>
    %get3A_3 = vector.shape_cast %get3A_2 : vector<1x1024x2048xbf16> to vector<1024x2048xbf16>
    %get3A_4 = arith.constant 0 : index
    %get3A_5 = arith.constant 0 : index
    %get3A_6 = arith.constant 0 : index
    %get3A_7 = vector.load %arg4[%get3A_4, %get3A_5, %get3A_6] : memref<1x1024x128xf32, #tpu.memory_space<vmem>>, vector<1x1024x128xf32>
    %get3A_8 = vector.shape_cast %get3A_7 : vector<1x1024x128xf32> to vector<1024x128xf32>
    %reduce_max3A = arith.constant dense<0xFF800000> : vector<1024xf32>
    %reduce_max3A_9 = vector.multi_reduction <maximumf>, %get3A_8, %reduce_max3A [1] : vector<1024x128xf32> to vector<1024xf32>
    %broadcast_in_dim3A = vector.shape_cast %reduce_max3A_9 : vector<1024xf32> to vector<1024x1xf32>
    %convert_element_type3A = arith.truncf %broadcast_in_dim3A : vector<1024x1xf32> to vector<1024x1xbf16>
    %mul3A = vector.broadcast %convert_element_type3A : vector<1024x1xbf16> to vector<1024x2048xbf16>
    %mul3A_10 = arith.mulf %get3A_3, %mul3A : vector<1024x2048xbf16>
    %sub3A = arith.subf %get3A_3, %mul3A_10 : vector<1024x2048xbf16>
    %get3A_11 = arith.constant 0 : index
    %get3A_12 = arith.constant 0 : index
    %get3A_13 = vector.load %arg5[%get3A_11, %get3A_12] : memref<512x2048xf32, #tpu.memory_space<vmem>>, vector<512x2048xf32>
    %convert_element_type3A_14 = arith.truncf %get3A_13 : vector<512x2048xf32> to vector<512x2048xbf16>
    %get3A_15 = arith.constant 0 : index
    %get3A_16 = arith.constant 0 : index
    %get3A_17 = vector.load %arg6[%get3A_15, %get3A_16] : memref<512x2048xf32, #tpu.memory_space<vmem>>, vector<512x2048xf32>
    %convert_element_type3A_18 = arith.truncf %get3A_17 : vector<512x2048xf32> to vector<512x2048xbf16>
    %dot_general3A = arith.constant dense<0.000000e+00> : vector<1024x512xf32>
    %dot_general3A_19 = tpu.matmul %sub3A, %convert_element_type3A_14, %dot_general3A {dimension_numbers = #tpu.dot_dimension_numbers<[1], [1], [0], [0], [0, 0, 1, 0], [], []>, transpose_lhs_hint = false} : vector<1024x2048xbf16>, vector<512x2048xbf16>, vector<1024x512xf32> -> vector<1024x512xf32>
    %dot_general3A_20 = arith.constant dense<0.000000e+00> : vector<1024x512xf32>
    %dot_general3A_21 = tpu.matmul %mul3A_10, %convert_element_type3A_18, %dot_general3A_20 {dimension_numbers = #tpu.dot_dimension_numbers<[1], [1], [0], [0], [0, 0, 1, 0], [], []>, transpose_lhs_hint = false} : vector<1024x2048xbf16>, vector<512x2048xbf16>, vector<1024x512xf32> -> vector<1024x512xf32>
    %add3A = arith.addf %dot_general3A_19, %dot_general3A_21 : vector<1024x512xf32>
    %swap3A = arith.constant 0 : index
    %swap3A_22 = arith.constant 0 : index
    %swap3A_23 = arith.constant 0 : index
    %swap3A_24 = vector.load %arg7[%swap3A, %swap3A_22, %swap3A_23] : memref<1x1024x512xf32, #tpu.memory_space<vmem>>, vector<1x1024x512xf32>
    %swap3A_25 = vector.shape_cast %swap3A_24 : vector<1x1024x512xf32> to vector<1024x512xf32>
    %swap3A_26 = vector.shape_cast %add3A : vector<1024x512xf32> to vector<1x1024x512xf32>
    tpu.vector_store %arg7[%swap3A, %swap3A_22, %swap3A_23], %swap3A_26 {strides = array<i32>} : memref<1x1024x512xf32, #tpu.memory_space<vmem>>, vector<1x1024x512xf32>,
    return
  }
  func.func @transform_0(%arg0: i32, %arg1: i32, %arg2: i32) -> (i32, i32, i32) {
    %c0_i32 = arith.constant 0 : i32
    %c0_i32_0 = arith.constant 0 : i32
    return %arg0, %arg1, %c0_i32 : i32, i32, i32
  }
  func.func @transform_1(%arg0: i32, %arg1: i32, %arg2: i32) -> (i32, i32, i32) {
    %c0_i32 = arith.constant 0 : i32
    %c0_i32_0 = arith.constant 0 : i32
    return %arg0, %arg1, %c0_i32 : i32, i32, i32
  }
  func.func @transform_2(%arg0: i32, %arg1: i32, %arg2: i32) -> (i32, i32) {
    %c0_i32 = arith.constant 0 : i32
    %c0_i32_0 = arith.constant 0 : i32
    return %arg2, %c0_i32 : i32, i32
  }
  func.func @transform_3(%arg0: i32, %arg1: i32, %arg2: i32) -> (i32, i32) {
    %c0_i32 = arith.constant 0 : i32
    %c0_i32_0 = arith.constant 0 : i32
    return %arg2, %c0_i32 : i32, i32
  }
  func.func @transform_4(%arg0: i32, %arg1: i32, %arg2: i32) -> (i32, i32, i32) {
    %c0_i32 = arith.constant 0 : i32
    return %arg0, %arg1, %arg2 : i32, i32, i32
  }
}

</mosaic_0001>

<sc_bundles>
// kernel: kernel.7.cloned.1.call-start
scs
__scs_entry_jumppad:
0x0: {  	(pc) =	sbr.rel $0x88, $3  }
0x1: {  	(tag) =	ssettag $0x0;
	lr =	simm.s32 $0x1  }
0x2: {  	[smem:$0x3F93] =	sst lr;
	_ =	strace $0xD0000000  }
0x3: {  	_ = 	snop  }
0x4: {  	_ = 	snop  }
0x5: {  	_ = 	snop  }
0x6: {  	_ = 	snop  }
0x7: {  	_ = 	snop  }
__scs_overlays_trampoline_lowered:
0x8: {  	[smem:$0x3FA2] =	sst s0  }
0x9: {  	[smem:$0x3FA3] =	sst s1  }
0xa: {  	[smem:$0x3FA4] =	sst s2  }
0xb: {  	[smem:$0x3FA5] =	sst s3  }
0xc: {  	[smem:$0x3FA6] =	sst s4  }
0xd: {  	[smem:$0x3FA7] =	sst s5  }
0xe: {  	[smem:$0x3FA8] =	sst s6  }
0xf: {  	[smem:$0x3FA9] =	sst s7  }
0x10: {  	[smem:$0x3FAA] =	sst s8  }
0x11: {  	[smem:$0x3FAB] =	sst s9;
	s0 =	simm.s32 @!p0 $0x0  }
0x12: {  	s1 =	sld [smem:$0x3F91];
	s0 =	simm.s32 @p0 $0x1  }
0x13: {  	[smem:$0x3FAC] =	sst s0;
	s0 =	simm.s32 @!p1 $0x0  }
0x14: {  	s2 =	sld [smem:$0x3F90];
	s0 =	simm.s32 @p1 $0x1  }
0x15: {  	[smem:$0x3FAD] =	sst s0;
	s0 =	simm.s32 @!p2 $0x0  }
0x16: {  	s3 =	sld [smem:$0x3FDB];
	s0 =	simm.s32 @p2 $0x1  }
0x17: {  	s4 =	simm.s32 $0x1BF5;
	[smem:$0x3FAF] =	sst s0  }
0x18: {  	s0 =	sld [smem:$0x3F92];
	_ =	swait.ge [sflag:s4], $0x0  }
0x19: {  	s7 =	sld [smem:$0x3F93]  }
0x1a: {  	s8 =	sadd.s32 $0xFFFFE003, lr  }
0x1b: {  	s9 =	sadd.s32 $0xFFFFFEF7, lr;
	s5 =	simm.s32 $0xFFFFFFFF;
	p2 =	slt.u32 s8, $0xFFFFF086  }
0x1c: {  	p1 =	slt.u32 s9, $0xF7A;
	s5 =	simm.s32 @!p2 $0x0  }
0x1d: {  	s5 =	simm.s32 @p1 $0x1;
	p0 =	seq.s32 s7, s2  }
0x1e: {  	s7 =	smul.u32 @!p0 $0xF7A, s2;
	p2 =	seq.s32 @!p0 s5, $0x0  }
0x1f: {  	s9 =	smul.u32 $0xF7A, s1;
	s8 =	simm.s32 @!p0 $0x1BF5;
	p2 =	por !p2, p0  }
0x20: {  	[sflag:s8] =	ssyncset.s32 @!p0 $0xFFFFF086;
	s6 =	sadd.s32 @!p0 s3, s7;
	s7 =	simm.s32 @!p0 $0x108  }
0x21: {  	s3 =	sadd.s32 s3, s9;
	s6 =	sadd.s32 @!p0 $0x88, s6;
	s7 =	simm.s32 @p2 $0x1082  }
0x22: {  	[simem:s7], [sflag:s8] =	dma.local @!p0 [hbm:s6], $0xF7A  }
0x23: {  	s9 =	sor.u32 $0xD0000000, s2;
	s6 =	simm.s32 $0x108;
	_ =	swait.ge @!p0 [sflag:s8], $0x0  }
0x24: {  	s3 =	sadd.s32 $0x88, s3;
	s6 =	simm.s32 @!p1 $0x1082;
	[sflag:s4] =	ssyncset.s32 $0xFFFFF086  }
0x25: {  	[simem:s6], [sflag:s4] =	dma.local [hbm:s3], $0xF7A  }
0x26: {  	[smem:$0x3F93] =	sst s1;
	(tag) =	ssettag s2;
	_ =	strace s9  }
0x27: {  	s1 =	sld [smem:$0x3FA3]  }
0x28: {  	s2 =	sld [smem:$0x3FA4]  }
0x29: {  	s4 =	sld [smem:$0x3FA6]  }
0x2a: {  	p0 =	seq.s32 s5, $0x0;
	s5 =	sld [smem:$0x3FA7]  }
0x2b: {  	s6 =	sld [smem:$0x3FA8]  }
0x2c: {  	s7 =	sld [smem:$0x3FA9]  }
0x2d: {  	s3 =	simm.s32 $0x108;
	s8 =	sld [smem:$0x3FAA]  }
0x2e: {  	s3 =	simm.s32 @!p0 $0x1082;
	s9 =	sld [smem:$0x3FAB]  }
0x2f: {  	lr =	sadd.s32 s0, s3;
	s0 =	sld [smem:$0x3FA2]  }
0x30: {  	s3 =	sld [smem:$0x3FA5]  }
0x31: {  	[smem:$0x3FAE] =	sst s10  }
0x32: {  	s10 =	sld [smem:$0x3FAC];
	_ =	sdelay $0x3  }
0x33: {  	p0 =	seq.s32 s10, $0x1;
	s10 =	sld [smem:$0x3FAE];
	_ =	sdelay $0x3  }
0x34: {  	[smem:$0x3FAE] =	sst s10  }
0x35: {  	s10 =	sld [smem:$0x3FAD];
	_ =	sdelay $0x3  }
0x36: {  	p1 =	seq.s32 s10, $0x1;
	s10 =	sld [smem:$0x3FAE];
	_ =	sdelay $0x3  }
0x37: {  	[smem:$0x3FAE] =	sst s10  }
0x38: {  	s10 =	sld [smem:$0x3FAF]  }
0x39: {  	_ = 	snop;
	(pc) =	sbr.ind lr, $3  }
0x3a: {  	_ = 	snop  }
0x3b: {  	_ = 	snop  }
0x3c: {  	p2 =	seq.s32 s10, $0x1;
	s10 =	sld [smem:$0x3FAE]  }
0x3d: {  	_ =	shalt  }
0x3e: {  	_ =	shalt  }
0x3f: {  	_ =	shalt  }
0x40: {  	_ =	shalt  }
0x41: {  	_ =	shalt  }
0x42: {  	_ =	shalt  }
0x43: {  	_ =	shalt  }
0x44: {  	_ =	shalt  }
0x45: {  	_ =	shalt  }
0x46: {  	_ =	shalt  }
0x47: {  	_ =	shalt  }
0x48: {  	_ =	shalt  }
0x49: {  	_ =	shalt  }
0x4a: {  	_ =	shalt  }
0x4b: {  	_ =	shalt  }
0x4c: {  	_ =	shalt  }
0x4d: {  	_ =	shalt  }
0x4e: {  	_ =	shalt  }
0x4f: {  	_ =	shalt  }
0x50: {  	_ =	shalt  }
0x51: {  	_ =	shalt  }
0x52: {  	_ =	shalt  }
0x53: {  	_ =	shalt  }
0x54: {  	_ =	shalt  }
0x55: {  	_ =	shalt  }
0x56: {  	_ =	shalt  }
0x57: {  	_ =	shalt  }
0x58: {  	_ =	shalt  }
0x59: {  	_ =	shalt  }
0x5a: {  	_ =	shalt  }
0x5b: {  	_ =	shalt  }
0x5c: {  	_ =	shalt  }
0x5d: {  	_ =	shalt  }
0x5e: {  	_ =	shalt  }
0x5f: {  	_ =	shalt  }
0x60: {  	_ =	shalt  }
0x61: {  	_ =	shalt  }
0x62: {  	_ =	shalt  }
0x63: {  	_ =	shalt  }
0x64: {  	_ =	shalt  }
0x65: {  	_ =	shalt  }
0x66: {  	_ =	shalt  }
0x67: {  	_ =	shalt  }
0x68: {  	_ =	shalt  }
0x69: {  	_ =	shalt  }
0x6a: {  	_ =	shalt  }
0x6b: {  	_ =	shalt  }
0x6c: {  	_ =	shalt  }
0x6d: {  	_ =	shalt  }
0x6e: {  	_ =	shalt  }
0x6f: {  	_ =	shalt  }
0x70: {  	_ =	shalt  }
0x71: {  	_ =	shalt  }
0x72: {  	_ =	shalt  }
0x73: {  	_ =	shalt  }
0x74: {  	_ =	shalt  }
0x75: {  	_ =	shalt  }
0x76: {  	_ =	shalt  }
0x77: {  	_ =	shalt  }
0x78: {  	_ =	shalt  }
0x79: {  	_ =	shalt  }
0x7a: {  	_ =	shalt  }
0x7b: {  	_ =	shalt  }
0x7c: {  	_ =	shalt  }
0x7d: {  	_ =	shalt  }
0x7e: {  	_ =	shalt  }
0x7f: {  	_ =	shalt  }
0x80: {  	_ =	shalt  }
0x81: {  	_ =	shalt  }
0x82: {  	_ =	shalt  }
0x83: {  	_ =	shalt  }
0x84: {  	_ =	shalt  }
0x85: {  	_ =	shalt  }
0x86: {  	_ =	shalt  }
0x87: {  	_ =	shalt  }
.Lfunc_end0:
.L_simem_size_0:
called_computation_lowered:
.L_overlay_start_0:
0x88: {  	s2 =	sld [smem:$0x3FD9]  }
0x89: {  	s3 =	sld [smem:$0x3FFE];
	_ =	sdelay $0x1  }
0x8a: {  	s1 =	srdreg.scid  }
0x8b: {  	s0 =	sand.u32 $0x1, s1  }
0x8c: {  	s17 =	sshll.u32 s0, $0xA;
	s2 =	sadd.s32 s3, s2  }
0x8d: {  	s2 =	sadd.s32 s2, s17  }
0x8e: {  	[smem:$0x3FBA] =	sst s2  }
0x8f: {  	_ = 	snop  }
0x90: {  	s2 =	sld [smem:$0x3FC9]  }
0x91: {  	s18 =	sld [smem:$0x3FD0];
	(tm) =	ssettm $0x1  }
0x92: {  	s4 =	sld [smem:$0x3FFB];
	_ =	sdelay $0x3  }
0x93: {  	_ =	strace s4  }
0x94: {  	s4 =	sld [smem:$0x3FFC];
	_ =	sdelay $0x3  }
0x95: {  	_ =	strace s4  }
0x96: {  	s4 =	sld [smem:$0x3FFD];
	_ =	sdelay $0x3  }
0x97: {  	_ =	strace s4  }
0x98: {  	_ =	strace $0x8FFFFFFF  }
0x99: {  	s19 =	sld [smem:$0x3FDB];
	_ =	sdelay $0x1  }
0x9a: {  	s5 =	simm.s32 $_scs_section_size  }
0x9b: {  	s6 =	simm.s32 $_size__tile_overlayer_lowered;
	s7 =	simm.s32 $_tile_overlayer_lowered  }
0x9c: {  	s22 =	simm.s32 $0x1BFF;
	s21 =	sshll.u32 s7, $0x1;
	s4 =	sadd.s32 s5, s19  }
0x9d: {  	s8 =	simm.s32 $0x0;
	s20 =	sshll.u32 s6, $0x1;
	s6 =	sadd.s32 s21, s4  }
0x9e: {  	[timem:s8], [sflag:s22] =	dma.local [hbm:s6], s20  }
0x9f: {  	_ =	swait.ge [sflag:s22], s20  }
0xa0: {  	s5 =	ssub.s32 $0x0, s20;
	[sflag:s22] =	ssyncset.done $0x0  }
0xa1: {  	[sflag:s22] =	ssyncadd.s32 s5;
	_ =	sdelay $0x1  }
0xa2: {  	s23 =	simm.s32 $0x1B8B  }
0xa3: {  	_ =	swait.ge [sflag:s23], $0x1  }
0xa4: {  	[sflag:s23] =	ssyncset.done $0x0  }
0xa5: {  	s25 =	simm.s32 $0x1B8E;
	s24 =	sld [smem:$0x3FFE];
	[sflag:s23] =	ssyncadd.s32 $0xFFFFFFFF  }
0xa6: {  	s26 =	simm.s32 $execute0_lowered;
	[smem:$0x3FD2] =	sst s25  }
0xa7: {  	s6 =	sshll.u32 s26, $0x1;
	_ =	strace $0x80000046;
	[dreg:$0x1] =	wrdreg $0xFFFFFFFF  }
0xa8: {  	s28 =	simm.s32 $_size_execute0_lowered;
	s4 =	sadd.s32 s4, s6;
	[dreg:$0x0] =	wrdreg $0x0  }
0xa9: {  	s6 =	sshll.u32 s28, $0x1;
	[dreg:$0x2] =	wrdreg s4  }
0xaa: {  	[dreg:$0x3] =	wrdreg s6  }
0xab: {  	[dreg:$0x4] =	wrdreg $0xC0  }
0xac: {  	_ =	task [dreg:s8], $0x5FFFF  }
0xad: {  	[dreg:$0x1] =	wrdreg $0xFFFFFFFF  }
0xae: {  	[dreg:$0x0] =	wrdreg $0x60  }
0xaf: {  	[dreg:$0x2] =	wrdreg s2  }
0xb0: {  	[dreg:$0x3] =	wrdreg s24  }
0xb1: {  	[dreg:$0x4] =	wrdreg s18  }
0xb2: {  	[dreg:$0x5] =	wrdreg $0x9  }
0xb3: {  	_ =	task.clear_ibuf [dreg:s8], $0x6FFFF;
	_ =	strace $0x90000046  }
0xb4: {  	s29 =	simm.s32 $0x9;
	_ =	strace $0x80000048  }
0xb5: {  	_ =	swait.ge [sflag:s29], $0x1  }
0xb6: {  	[sflag:s29] =	ssyncadd.s32 $0xFFFFFFFF  }
0xb7: {  	_ =	strace $0x90000048  }
0xb8: {  	_ =	sfence  }
0xb9: {  	s30 =	sld [smem:$0x0];
	_ =	sdelay $0x2  }
0xba: {  	s31 =	sshll.u32 s1, $0xD;
	s1 =	sshrl.u32 s1, $0x2  }
0xbb: {  	s3 =	sand.u32 $0x4000, s31;
	s1 =	sadd.s32 s1, s30  }
0xbc: {  	s0 =	sor.u32 s3, s0;
	s1 =	sshll.u32 s1, $0x11  }
0xbd: {  	s0 =	sor.u32 s1, s0  }
0xbe: {  	s0 =	sadd.s32 $0x8F2B, s0  }
0xbf: {  	[sflag:s0] =	ssyncadd.remote.s32 $0x1  }
0xc0: {  	_ =	sfence.sel $0xFFFF  }
0xc1: {  	[dreg:$0x0] =	wrdreg $0xFFFFFFFF;
	(pc) =	sbr.abs _section_cstart, $3  }
0xc2: {  	[dreg:$0x1] =	wrdreg $0xFFFFFFFF  }
0xc3: {  	_ =	task.clear_ibuf [dreg:s8], $0x2FFFF;
	_ =	strace $0x9FFFFFFF  }
0xc4: {  	(tm) =	ssettm $0x7FFFFFFF  }
0xc5: {  	_ =	shalt  }
tec
execute0_lowered:
.L_overlay_start_1:
0x0: {  	(tag) =	ssettag $0x1  }
0x1: {  	s1 =	rddreg [dreg:$0x0]  }
0x2: {  	s0 =	rddreg [dreg:$0x1]  }
0x3: {  	s2 =	rddreg [dreg:$0x2];
	s3 =	srdreg.scid  }
0x4: {  	s5 =	stileid.u32;
	s29 =	simm.s32 $0x880;
	s30 =	simm.s32 $0x1080  }
0x5: {  	s31 =	simm.s32 $0x1880;
	s14 =	simm.s32 $0x3080;
	s15 =	simm.s32 $0x3880  }
0x6: {  	s16 =	simm.s32 $0x4080;
	s17 =	simm.s32 $0x4880;
	s18 =	simm.s32 $0x5080  }
0x7: {  	s19 =	simm.s32 $0x5880;
	s4 =	sand.u32 $0x1, s3;
	s3 =	simm.s32 $0x0  }
0x8: {  	s5 =	sshll.u32 s5, $0x8;
	s0 =	sadd.s32 $0x2E00, s0;
	s7 =	sadd.s32 $0x400, s1  }
0x9: {  	s8 =	sadd.s32 $0x500, s1;
	s6 =	sshll.u32 s4, $0x7;
	[smem:$0x7FF] =	sst s3  }
0xa: {  	s4 =	ssub.s32 $0x2, s4;
	s10 =	sor.u32 s6, s5;
	_ =	strace $0x80000047  }
0xb: {  	s20 =	sshrl.u32 s4, $0x1;
	s6 =	sadd.s32 $0x300, s1;
	s5 =	sshrl.u32 s10, $0x3  }
0xc: {  	s11 =	ssub.s32 s4, s20;
	s4 =	sadd.s32 $0x100, s1;
	s9 =	sshll.u32 s10, $0x8  }
0xd: {  	s12 =	sor.u32 $0x20, s10;
	s22 =	sor.u32 $0x40, s10;
	s10 =	sor.u32 $0x60, s10  }
0xe: {  	s20 =	simm.s32 $0x6080;
	s5 =	sadd.s32 s0, s5;
	s9 =	sadd.s32 s2, s9  }
0xf: {  	s13 =	sshrl.u32 s12, $0x3;
	s12 =	sshll.u32 s12, $0x8;
	s23 =	sshrl.u32 s22, $0x3  }
0x10: {  	s25 =	sshrl.u32 s10, $0x3;
	s26 =	sshll.u32 s10, $0x8;
	s10 =	sadd.s32 $0x700, s1  }
0x11: {  	s11 =	smax.u32 s11, $0x1;
	[dreg:$0x4] =	wrdreg s5;
	s5 =	sadd.s32 $0x200, s1  }
0x12: {  	[dreg:$0x5] =	wrdreg s9;
	s21 =	sadd.s32 s0, s13;
	s12 =	sadd.s32 s2, s12  }
0x13: {  	s9 =	sadd.s32 $0x600, s1;
	s13 =	sshll.u32 s22, $0x8;
	s28 =	sadd.s32 s2, s26  }
0x14: {  	s26 =	simm.s32 $0x1;
	s22 =	simm.s32 $0x7080;
	[dreg:$0x6] =	wrdreg s21  }
0x15: {  	[dreg:$0x7] =	wrdreg s12;
	s12 =	sadd.s32 s0, s23;
	s24 =	sadd.s32 s2, s13  }
0x16: {  	s0 =	sadd.s32 s0, s25;
	[dreg:$0xb] =	wrdreg s28;
	s13 =	simm.s32 $0x80  }
0x17: {  	v2 =	vlaneseq.u32;
	s2 =	simm.s32 $0x2880;
	s21 =	simm.s32 $0x6880;
	[dreg:$0x8] =	wrdreg s12  }
0x18: {  	vm0 =	vmmov $0xffff;
	v1 =	vshrl.u32 v2, $0x3;
	s23 =	simm.s32 $0x7880;
	s25 =	simm.s32 $0x8880;
	[dreg:$0x9] =	wrdreg s24  }
0x19: {  	v0 =	vand.u32 $0x7, v2;
	v2 =	vor.u32 $0x8, v2;
	v1 =	vmul.u32 $0x8, v1;
	[dreg:$0xa] =	wrdreg s0;
	s12 =	simm.s32 $0x2;
	s24 =	simm.s32 $0x8080  }
.LBB2_1:
0x1a: {  	s28 =	rddreg [dreg:$0x4]  }
0x1b: {  	[tilespmem:s3], [sflag:$0x2] =	stream.linear.gather [hbm4b:s28+s3], $0x20, $0x38;
	[tilespmem:$0x10080] =	vst v63  }
0x1c: {  	_ =	swait.ge [sflag:s12], $0x20  }
0x1d: {  	[sflag:s12] =	ssyncset.done $0x0  }
0x1e: {  	[sflag:s12] =	ssyncadd.s32 $0xFFFFFFE0  }
0x1f: {  	v3 =	vld [tilespmem:$0x0];
	_ =	sdelay $0x4  }
0x20: {  	v4 =	vshll.u32 v3, $0x4  }
0x21: {  	v3 =	vand.u32 $0x7, v3;
	v4 =	vand.u32 $0xFFFFFF80, v4  }
0x22: {  	v3 =	vor.u32 v3, v4  }
0x23: {  	v4 =	vperm.xlane v3, v0;
	_ =	sdelay $0x1  }
0x24: {  	v4 =	vadd.s32 v1, v4;
	_ =	sdelay $0x4  }
0x25: {  	[tilespmem:s13], [sflag:$0x1] =	stream.indirect_vreg.gather [hbm4b:s1+s3], $0x80, v4, vm0, $0xb8;
	[tilespmem:$0x10080] =	vst v63  }
0x26: {  	_ = 	snop  }
0x27: {  	[tilespmem:s29], [sflag:$0x1] =	stream.indirect_vreg.gather [hbm4b:s4+s3], $0x80, v4, vm0, $0xb8;
	[tilespmem:$0x10080] =	vst v63  }
0x28: {  	_ = 	snop  }
0x29: {  	[tilespmem:s30], [sflag:$0x1] =	stream.indirect_vreg.gather [hbm4b:s5+s3], $0x80, v4, vm0, $0xb8;
	[tilespmem:$0x10080] =	vst v63  }
0x2a: {  	_ = 	snop  }
0x2b: {  	[tilespmem:s31], [sflag:$0x1] =	stream.indirect_vreg.gather [hbm4b:s6+s3], $0x80, v4, vm0, $0xb8;
	[tilespmem:$0x10080] =	vst v63  }
0x2c: {  	s0 =	simm.s32 $0x2080  }
0x2d: {  	[tilespmem:s0], [sflag:$0x1] =	stream.indirect_vreg.gather [hbm4b:s7+s3], $0x80, v4, vm0, $0xb8;
	[tilespmem:$0x10080] =	vst v63  }
0x2e: {  	v3 =	vperm.xlane v3, v2  }
0x2f: {  	[tilespmem:s2], [sflag:$0x1] =	stream.indirect_vreg.gather [hbm4b:s8+s3], $0x80, v4, vm0, $0xb8;
	[tilespmem:$0x10080] =	vst v63  }
0x30: {  	v3 =	vadd.s32 v1, v3  }
0x31: {  	[tilespmem:s14], [sflag:$0x1] =	stream.indirect_vreg.gather [hbm4b:s9+s3], $0x80, v4, vm0, $0xb8;
	[tilespmem:$0x10080] =	vst v63  }
0x32: {  	_ = 	snop  }
0x33: {  	[tilespmem:s15], [sflag:$0x1] =	stream.indirect_vreg.gather [hbm4b:s10+s3], $0x80, v4, vm0, $0xb8;
	[tilespmem:$0x10080] =	vst v63  }
0x34: {  	_ = 	snop  }
0x35: {  	[tilespmem:s16], [sflag:$0x1] =	stream.indirect_vreg.gather [hbm4b:s1+s3], $0x80, v3, vm0, $0xb8;
	[tilespmem:$0x10080] =	vst v63  }
0x36: {  	_ = 	snop  }
0x37: {  	[tilespmem:s17], [sflag:$0x1] =	stream.indirect_vreg.gather [hbm4b:s4+s3], $0x80, v3, vm0, $0xb8;
	[tilespmem:$0x10080] =	vst v63  }
0x38: {  	_ = 	snop  }
0x39: {  	[tilespmem:s18], [sflag:$0x1] =	stream.indirect_vreg.gather [hbm4b:s5+s3], $0x80, v3, vm0, $0xb8;
	[tilespmem:$0x10080] =	vst v63  }
0x3a: {  	_ = 	snop  }
0x3b: {  	[tilespmem:s19], [sflag:$0x1] =	stream.indirect_vreg.gather [hbm4b:s6+s3], $0x80, v3, vm0, $0xb8;
	[tilespmem:$0x10080] =	vst v63  }
0x3c: {  	_ = 	snop  }
0x3d: {  	[tilespmem:s20], [sflag:$0x1] =	stream.indirect_vreg.gather [hbm4b:s7+s3], $0x80, v3, vm0, $0xb8;
	[tilespmem:$0x10080] =	vst v63  }
0x3e: {  	_ = 	snop  }
0x3f: {  	[tilespmem:s21], [sflag:$0x1] =	stream.indirect_vreg.gather [hbm4b:s8+s3], $0x80, v3, vm0, $0xb8;
	[tilespmem:$0x10080] =	vst v63  }
0x40: {  	_ = 	snop  }
0x41: {  	[tilespmem:s22], [sflag:$0x1] =	stream.indirect_vreg.gather [hbm4b:s9+s3], $0x80, v3, vm0, $0xb8;
	[tilespmem:$0x10080] =	vst v63  }
0x42: {  	_ = 	snop  }
0x43: {  	[tilespmem:s23], [sflag:$0x1] =	stream.indirect_vreg.gather [hbm4b:s10+s3], $0x80, v3, vm0, $0xb8;
	[tilespmem:$0x10080] =	vst v63  }
0x44: {  	v3 =	vld [tilespmem:$0x10];
	_ =	sdelay $0x4  }
0x45: {  	v57 =	vshll.u32 v3, $0x4  }
0x46: {  	v3 =	vand.u32 $0x7, v3;
	v4 =	vand.u32 $0xFFFFFF80, v57  }
0x47: {  	v3 =	vor.u32 v3, v4  }
0x48: {  	v4 =	vperm.xlane v3, v0;
	_ =	sdelay $0x1  }
0x49: {  	v4 =	vadd.s32 v1, v4;
	_ =	sdelay $0x4  }
0x4a: {  	[tilespmem:s24], [sflag:$0x1] =	stream.indirect_vreg.gather [hbm4b:s1+s3], $0x80, v4, vm0, $0xb8;
	[tilespmem:$0x10080] =	vst v63  }
0x4b: {  	_ = 	snop  }
0x4c: {  	[tilespmem:s25], [sflag:$0x1] =	stream.indirect_vreg.gather [hbm4b:s4+s3], $0x80, v4, vm0, $0xb8;
	[tilespmem:$0x10080] =	vst v63  }
0x4d: {  	s28 =	simm.s32 $0x9080  }
0x4e: {  	[tilespmem:s28], [sflag:$0x1] =	stream.indirect_vreg.gather [hbm4b:s5+s3], $0x80, v4, vm0, $0xb8;
	[tilespmem:$0x10080] =	vst v63  }
0x4f: {  	s28 =	simm.s32 $0x9880  }
0x50: {  	[tilespmem:s28], [sflag:$0x1] =	stream.indirect_vreg.gather [hbm4b:s6+s3], $0x80, v4, vm0, $0xb8;
	[tilespmem:$0x10080] =	vst v63  }
0x51: {  	s28 =	simm.s32 $0xA080  }
0x52: {  	[tilespmem:s28], [sflag:$0x1] =	stream.indirect_vreg.gather [hbm4b:s7+s3], $0x80, v4, vm0, $0xb8;
	[tilespmem:$0x10080] =	vst v63  }
0x53: {  	v3 =	vperm.xlane v3, v2;
	s28 =	simm.s32 $0xA880  }
0x54: {  	[tilespmem:s28], [sflag:$0x1] =	stream.indirect_vreg.gather [hbm4b:s8+s3], $0x80, v4, vm0, $0xb8;
	[tilespmem:$0x10080] =	vst v63  }
0x55: {  	v3 =	vadd.s32 v1, v3;
	s28 =	simm.s32 $0xB080  }
0x56: {  	[tilespmem:s28], [sflag:$0x1] =	stream.indirect_vreg.gather [hbm4b:s9+s3], $0x80, v4, vm0, $0xb8;
	[tilespmem:$0x10080] =	vst v63  }
0x57: {  	s28 =	simm.s32 $0xB880  }
0x58: {  	[tilespmem:s28], [sflag:$0x1] =	stream.indirect_vreg.gather [hbm4b:s10+s3], $0x80, v4, vm0, $0xb8;
	[tilespmem:$0x10080] =	vst v63  }
0x59: {  	s28 =	simm.s32 $0xC080  }
0x5a: {  	[tilespmem:s28], [sflag:$0x1] =	stream.indirect_vreg.gather [hbm4b:s1+s3], $0x80, v3, vm0, $0xb8;
	[tilespmem:$0x10080] =	vst v63  }
0x5b: {  	s28 =	simm.s32 $0xC880  }
0x5c: {  	[tilespmem:s28], [sflag:$0x1] =	stream.indirect_vreg.gather [hbm4b:s4+s3], $0x80, v3, vm0, $0xb8;
	[tilespmem:$0x10080] =	vst v63  }
0x5d: {  	s28 =	simm.s32 $0xD080  }
0x5e: {  	[tilespmem:s28], [sflag:$0x1] =	stream.indirect_vreg.gather [hbm4b:s5+s3], $0x80, v3, vm0, $0xb8;
	[tilespmem:$0x10080] =	vst v63  }
0x5f: {  	s28 =	simm.s32 $0xD880  }
0x60: {  	[tilespmem:s28], [sflag:$0x1] =	stream.indirect_vreg.gather [hbm4b:s6+s3], $0x80, v3, vm0, $0xb8;
	[tilespmem:$0x10080] =	vst v63  }
0x61: {  	s28 =	simm.s32 $0xE080  }
0x62: {  	[tilespmem:s28], [sflag:$0x1] =	stream.indirect_vreg.gather [hbm4b:s7+s3], $0x80, v3, vm0, $0xb8;
	[tilespmem:$0x10080] =	vst v63  }
0x63: {  	s28 =	simm.s32 $0xE880  }
0x64: {  	[tilespmem:s28], [sflag:$0x1] =	stream.indirect_vreg.gather [hbm4b:s8+s3], $0x80, v3, vm0, $0xb8;
	[tilespmem:$0x10080] =	vst v63  }
0x65: {  	s28 =	simm.s32 $0xF080  }
0x66: {  	[tilespmem:s28], [sflag:$0x1] =	stream.indirect_vreg.gather [hbm4b:s9+s3], $0x80, v3, vm0, $0xb8;
	[tilespmem:$0x10080] =	vst v63  }
0x67: {  	s28 =	simm.s32 $0xF880  }
0x68: {  	[tilespmem:s28], [sflag:$0x1] =	stream.indirect_vreg.gather [hbm4b:s10+s3], $0x80, v3, vm0, $0xb8;
	[tilespmem:$0x10080] =	vst v63  }
0x69: {  	_ =	swait.ge [sflag:s26], $0x10000  }
0x6a: {  	[sflag:s26] =	ssyncset.done $0x0  }
0x6b: {  	s28 =	rddreg [dreg:$0x5];
	[sflag:s26] =	ssyncadd.s32 $0xFFFF0000  }
0x6c: {  	[hbm4b:s28+s3] =	stream.linear.scatter [tilespmem:s13], [sflag:$0x2], $0x10000, $0x38;
	[tilespmem:$0x10080] =	vst v63  }
0x6d: {  	_ =	swait.ge [sflag:s12], $0x10000  }
0x6e: {  	[sflag:s12] =	ssyncset.done $0x0  }
0x6f: {  	s28 =	rddreg [dreg:$0x6];
	[sflag:s12] =	ssyncadd.s32 $0xFFFF0000  }
0x70: {  	[tilespmem:s3], [sflag:$0x2] =	stream.linear.gather [hbm4b:s28+s3], $0x20, $0x38;
	[tilespmem:$0x10080] =	vst v63  }
0x71: {  	_ =	swait.ge [sflag:s12], $0x20  }
0x72: {  	[sflag:s12] =	ssyncset.done $0x0  }
0x73: {  	[sflag:s12] =	ssyncadd.s32 $0xFFFFFFE0  }
0x74: {  	v3 =	vld [tilespmem:$0x0];
	_ =	sdelay $0x4  }
0x75: {  	v58 =	vshll.u32 v3, $0x4  }
0x76: {  	v3 =	vand.u32 $0x7, v3;
	v4 =	vand.u32 $0xFFFFFF80, v58  }
0x77: {  	v3 =	vor.u32 v3, v4  }
0x78: {  	v4 =	vperm.xlane v3, v0;
	_ =	sdelay $0x1  }
0x79: {  	v4 =	vadd.s32 v1, v4;
	_ =	sdelay $0x4  }
0x7a: {  	[tilespmem:s13], [sflag:$0x1] =	stream.indirect_vreg.gather [hbm4b:s1+s3], $0x80, v4, vm0, $0xb8;
	[tilespmem:$0x10080] =	vst v63  }
0x7b: {  	_ = 	snop  }
0x7c: {  	[tilespmem:s29], [sflag:$0x1] =	stream.indirect_vreg.gather [hbm4b:s4+s3], $0x80, v4, vm0, $0xb8;
	[tilespmem:$0x10080] =	vst v63  }
0x7d: {  	_ = 	snop  }
0x7e: {  	[tilespmem:s30], [sflag:$0x1] =	stream.indirect_vreg.gather [hbm4b:s5+s3], $0x80, v4, vm0, $0xb8;
	[tilespmem:$0x10080] =	vst v63  }
0x7f: {  	_ = 	snop  }
0x80: {  	[tilespmem:s31], [sflag:$0x1] =	stream.indirect_vreg.gather [hbm4b:s6+s3], $0x80, v4, vm0, $0xb8;
	[tilespmem:$0x10080] =	vst v63  }
0x81: {  	_ = 	snop  }
0x82: {  	[tilespmem:s0], [sflag:$0x1] =	stream.indirect_vreg.gather [hbm4b:s7+s3], $0x80, v4, vm0, $0xb8;
	[tilespmem:$0x10080] =	vst v63  }
0x83: {  	v3 =	vperm.xlane v3, v2  }
0x84: {  	[tilespmem:s2], [sflag:$0x1] =	stream.indirect_vreg.gather [hbm4b:s8+s3], $0x80, v4, vm0, $0xb8;
	[tilespmem:$0x10080] =	vst v63  }
0x85: {  	v3 =	vadd.s32 v1, v3  }
0x86: {  	[tilespmem:s14], [sflag:$0x1] =	stream.indirect_vreg.gather [hbm4b:s9+s3], $0x80, v4, vm0, $0xb8;
	[tilespmem:$0x10080] =	vst v63  }
0x87: {  	_ = 	snop  }
0x88: {  	[tilespmem:s15], [sflag:$0x1] =	stream.indirect_vreg.gather [hbm4b:s10+s3], $0x80, v4, vm0, $0xb8;
	[tilespmem:$0x10080] =	vst v63  }
0x89: {  	_ = 	snop  }
0x8a: {  	[tilespmem:s16], [sflag:$0x1] =	stream.indirect_vreg.gather [hbm4b:s1+s3], $0x80, v3, vm0, $0xb8;
	[tilespmem:$0x10080] =	vst v63  }
0x8b: {  	_ = 	snop  }
0x8c: {  	[tilespmem:s17], [sflag:$0x1] =	stream.indirect_vreg.gather [hbm4b:s4+s3], $0x80, v3, vm0, $0xb8;
	[tilespmem:$0x10080] =	vst v63  }
0x8d: {  	_ = 	snop  }
0x8e: {  	[tilespmem:s18], [sflag:$0x1] =	stream.indirect_vreg.gather [hbm4b:s5+s3], $0x80, v3, vm0, $0xb8;
	[tilespmem:$0x10080] =	vst v63  }
0x8f: {  	_ = 	snop  }
0x90: {  	[tilespmem:s19], [sflag:$0x1] =	stream.indirect_vreg.gather [hbm4b:s6+s3], $0x80, v3, vm0, $0xb8;
	[tilespmem:$0x10080] =	vst v63  }
0x91: {  	_ = 	snop  }
0x92: {  	[tilespmem:s20], [sflag:$0x1] =	stream.indirect_vreg.gather [hbm4b:s7+s3], $0x80, v3, vm0, $0xb8;
	[tilespmem:$0x10080] =	vst v63  }
0x93: {  	_ = 	snop  }
0x94: {  	[tilespmem:s21], [sflag:$0x1] =	stream.indirect_vreg.gather [hbm4b:s8+s3], $0x80, v3, vm0, $0xb8;
	[tilespmem:$0x10080] =	vst v63  }
0x95: {  	_ = 	snop  }
0x96: {  	[tilespmem:s22], [sflag:$0x1] =	stream.indirect_vreg.gather [hbm4b:s9+s3], $0x80, v3, vm0, $0xb8;
	[tilespmem:$0x10080] =	vst v63  }
0x97: {  	_ = 	snop  }
0x98: {  	[tilespmem:s23], [sflag:$0x1] =	stream.indirect_vreg.gather [hbm4b:s10+s3], $0x80, v3, vm0, $0xb8;
	[tilespmem:$0x10080] =	vst v63  }
0x99: {  	v3 =	vld [tilespmem:$0x10];
	_ =	sdelay $0x4  }
0x9a: {  	v59 =	vshll.u32 v3, $0x4  }
0x9b: {  	v3 =	vand.u32 $0x7, v3;
	v4 =	vand.u32 $0xFFFFFF80, v59  }
0x9c: {  	v3 =	vor.u32 v3, v4  }
0x9d: {  	v4 =	vperm.xlane v3, v0;
	_ =	sdelay $0x1  }
0x9e: {  	v4 =	vadd.s32 v1, v4;
	_ =	sdelay $0x4  }
0x9f: {  	[tilespmem:s24], [sflag:$0x1] =	stream.indirect_vreg.gather [hbm4b:s1+s3], $0x80, v4, vm0, $0xb8;
	[tilespmem:$0x10080] =	vst v63  }
0xa0: {  	_ = 	snop  }
0xa1: {  	[tilespmem:s25], [sflag:$0x1] =	stream.indirect_vreg.gather [hbm4b:s4+s3], $0x80, v4, vm0, $0xb8;
	[tilespmem:$0x10080] =	vst v63  }
0xa2: {  	s28 =	simm.s32 $0x9080  }
0xa3: {  	[tilespmem:s28], [sflag:$0x1] =	stream.indirect_vreg.gather [hbm4b:s5+s3], $0x80, v4, vm0, $0xb8;
	[tilespmem:$0x10080] =	vst v63  }
0xa4: {  	s28 =	simm.s32 $0x9880  }
0xa5: {  	[tilespmem:s28], [sflag:$0x1] =	stream.indirect_vreg.gather [hbm4b:s6+s3], $0x80, v4, vm0, $0xb8;
	[tilespmem:$0x10080] =	vst v63  }
0xa6: {  	s28 =	simm.s32 $0xA080  }
0xa7: {  	[tilespmem:s28], [sflag:$0x1] =	stream.indirect_vreg.gather [hbm4b:s7+s3], $0x80, v4, vm0, $0xb8;
	[tilespmem:$0x10080] =	vst v63  }
0xa8: {  	v3 =	vperm.xlane v3, v2;
	s28 =	simm.s32 $0xA880  }
0xa9: {  	[tilespmem:s28], [sflag:$0x1] =	stream.indirect_vreg.gather [hbm4b:s8+s3], $0x80, v4, vm0, $0xb8;
	[tilespmem:$0x10080] =	vst v63  }
0xaa: {  	v3 =	vadd.s32 v1, v3;
	s28 =	simm.s32 $0xB080  }
0xab: {  	[tilespmem:s28], [sflag:$0x1] =	stream.indirect_vreg.gather [hbm4b:s9+s3], $0x80, v4, vm0, $0xb8;
	[tilespmem:$0x10080] =	vst v63  }
0xac: {  	s28 =	simm.s32 $0xB880  }
0xad: {  	[tilespmem:s28], [sflag:$0x1] =	stream.indirect_vreg.gather [hbm4b:s10+s3], $0x80, v4, vm0, $0xb8;
	[tilespmem:$0x10080] =	vst v63  }
0xae: {  	s28 =	simm.s32 $0xC080  }
0xaf: {  	[tilespmem:s28], [sflag:$0x1] =	stream.indirect_vreg.gather [hbm4b:s1+s3], $0x80, v3, vm0, $0xb8;
	[tilespmem:$0x10080] =	vst v63  }
0xb0: {  	s28 =	simm.s32 $0xC880  }
0xb1: {  	[tilespmem:s28], [sflag:$0x1] =	stream.indirect_vreg.gather [hbm4b:s4+s3], $0x80, v3, vm0, $0xb8;
	[tilespmem:$0x10080] =	vst v63  }
0xb2: {  	s28 =	simm.s32 $0xD080  }
0xb3: {  	[tilespmem:s28], [sflag:$0x1] =	stream.indirect_vreg.gather [hbm4b:s5+s3], $0x80, v3, vm0, $0xb8;
	[tilespmem:$0x10080] =	vst v63  }
0xb4: {  	s28 =	simm.s32 $0xD880  }
0xb5: {  	[tilespmem:s28], [sflag:$0x1] =	stream.indirect_vreg.gather [hbm4b:s6+s3], $0x80, v3, vm0, $0xb8;
	[tilespmem:$0x10080] =	vst v63  }
0xb6: {  	s28 =	simm.s32 $0xE080  }
0xb7: {  	[tilespmem:s28], [sflag:$0x1] =	stream.indirect_vreg.gather [hbm4b:s7+s3], $0x80, v3, vm0, $0xb8;
	[tilespmem:$0x10080] =	vst v63  }
0xb8: {  	s28 =	simm.s32 $0xE880  }
0xb9: {  	[tilespmem:s28], [sflag:$0x1] =	stream.indirect_vreg.gather [hbm4b:s8+s3], $0x80, v3, vm0, $0xb8;
	[tilespmem:$0x10080] =	vst v63  }
0xba: {  	s28 =	simm.s32 $0xF080  }
0xbb: {  	[tilespmem:s28], [sflag:$0x1] =	stream.indirect_vreg.gather [hbm4b:s9+s3], $0x80, v3, vm0, $0xb8;
	[tilespmem:$0x10080] =	vst v63  }
0xbc: {  	s28 =	simm.s32 $0xF880  }
0xbd: {  	[tilespmem:s28], [sflag:$0x1] =	stream.indirect_vreg.gather [hbm4b:s10+s3], $0x80, v3, vm0, $0xb8;
	[tilespmem:$0x10080] =	vst v63  }
0xbe: {  	_ =	swait.ge [sflag:s26], $0x10000  }
0xbf: {  	[sflag:s26] =	ssyncset.done $0x0  }
0xc0: {  	s28 =	rddreg [dreg:$0x7];
	[sflag:s26] =	ssyncadd.s32 $0xFFFF0000  }
0xc1: {  	[hbm4b:s28+s3] =	stream.linear.scatter [tilespmem:s13], [sflag:$0x2], $0x10000, $0x38;
	[tilespmem:$0x10080] =	vst v63  }
0xc2: {  	_ =	swait.ge [sflag:s12], $0x10000  }
0xc3: {  	[sflag:s12] =	ssyncset.done $0x0  }
0xc4: {  	s28 =	rddreg [dreg:$0x8];
	[sflag:s12] =	ssyncadd.s32 $0xFFFF0000  }
0xc5: {  	[tilespmem:s3], [sflag:$0x2] =	stream.linear.gather [hbm4b:s28+s3], $0x20, $0x38;
	[tilespmem:$0x10080] =	vst v63  }
0xc6: {  	_ =	swait.ge [sflag:s12], $0x20  }
0xc7: {  	[sflag:s12] =	ssyncset.done $0x0  }
0xc8: {  	[sflag:s12] =	ssyncadd.s32 $0xFFFFFFE0  }
0xc9: {  	v3 =	vld [tilespmem:$0x0];
	_ =	sdelay $0x4  }
0xca: {  	v60 =	vshll.u32 v3, $0x4  }
0xcb: {  	v3 =	vand.u32 $0x7, v3;
	v4 =	vand.u32 $0xFFFFFF80, v60  }
0xcc: {  	v3 =	vor.u32 v3, v4  }
0xcd: {  	v4 =	vperm.xlane v3, v0;
	_ =	sdelay $0x1  }
0xce: {  	v4 =	vadd.s32 v1, v4;
	_ =	sdelay $0x4  }
0xcf: {  	[tilespmem:s13], [sflag:$0x1] =	stream.indirect_vreg.gather [hbm4b:s1+s3], $0x80, v4, vm0, $0xb8;
	[tilespmem:$0x10080] =	vst v63  }
0xd0: {  	_ = 	snop  }
0xd1: {  	[tilespmem:s29], [sflag:$0x1] =	stream.indirect_vreg.gather [hbm4b:s4+s3], $0x80, v4, vm0, $0xb8;
	[tilespmem:$0x10080] =	vst v63  }
0xd2: {  	_ = 	snop  }
0xd3: {  	[tilespmem:s30], [sflag:$0x1] =	stream.indirect_vreg.gather [hbm4b:s5+s3], $0x80, v4, vm0, $0xb8;
	[tilespmem:$0x10080] =	vst v63  }
0xd4: {  	_ = 	snop  }
0xd5: {  	[tilespmem:s31], [sflag:$0x1] =	stream.indirect_vreg.gather [hbm4b:s6+s3], $0x80, v4, vm0, $0xb8;
	[tilespmem:$0x10080] =	vst v63  }
0xd6: {  	_ = 	snop  }
0xd7: {  	[tilespmem:s0], [sflag:$0x1] =	stream.indirect_vreg.gather [hbm4b:s7+s3], $0x80, v4, vm0, $0xb8;
	[tilespmem:$0x10080] =	vst v63  }
0xd8: {  	v3 =	vperm.xlane v3, v2  }
0xd9: {  	[tilespmem:s2], [sflag:$0x1] =	stream.indirect_vreg.gather [hbm4b:s8+s3], $0x80, v4, vm0, $0xb8;
	[tilespmem:$0x10080] =	vst v63  }
0xda: {  	v3 =	vadd.s32 v1, v3  }
0xdb: {  	[tilespmem:s14], [sflag:$0x1] =	stream.indirect_vreg.gather [hbm4b:s9+s3], $0x80, v4, vm0, $0xb8;
	[tilespmem:$0x10080] =	vst v63  }
0xdc: {  	_ = 	snop  }
0xdd: {  	[tilespmem:s15], [sflag:$0x1] =	stream.indirect_vreg.gather [hbm4b:s10+s3], $0x80, v4, vm0, $0xb8;
	[tilespmem:$0x10080] =	vst v63  }
0xde: {  	_ = 	snop  }
0xdf: {  	[tilespmem:s16], [sflag:$0x1] =	stream.indirect_vreg.gather [hbm4b:s1+s3], $0x80, v3, vm0, $0xb8;
	[tilespmem:$0x10080] =	vst v63  }
0xe0: {  	_ = 	snop  }
0xe1: {  	[tilespmem:s17], [sflag:$0x1] =	stream.indirect_vreg.gather [hbm4b:s4+s3], $0x80, v3, vm0, $0xb8;
	[tilespmem:$0x10080] =	vst v63  }
0xe2: {  	_ = 	snop  }
0xe3: {  	[tilespmem:s18], [sflag:$0x1] =	stream.indirect_vreg.gather [hbm4b:s5+s3], $0x80, v3, vm0, $0xb8;
	[tilespmem:$0x10080] =	vst v63  }
0xe4: {  	_ = 	snop  }
0xe5: {  	[tilespmem:s19], [sflag:$0x1] =	stream.indirect_vreg.gather [hbm4b:s6+s3], $0x80, v3, vm0, $0xb8;
	[tilespmem:$0x10080] =	vst v63  }
0xe6: {  	_ = 	snop  }
0xe7: {  	[tilespmem:s20], [sflag:$0x1] =	stream.indirect_vreg.gather [hbm4b:s7+s3], $0x80, v3, vm0, $0xb8;
	[tilespmem:$0x10080] =	vst v63  }
0xe8: {  	_ = 	snop  }
0xe9: {  	[tilespmem:s21], [sflag:$0x1] =	stream.indirect_vreg.gather [hbm4b:s8+s3], $0x80, v3, vm0, $0xb8;
	[tilespmem:$0x10080] =	vst v63  }
0xea: {  	_ = 	snop  }
0xeb: {  	[tilespmem:s22], [sflag:$0x1] =	stream.indirect_vreg.gather [hbm4b:s9+s3], $0x80, v3, vm0, $0xb8;
	[tilespmem:$0x10080] =	vst v63  }
0xec: {  	_ = 	snop  }
0xed: {  	[tilespmem:s23], [sflag:$0x1] =	stream.indirect_vreg.gather [hbm4b:s10+s3], $0x80, v3, vm0, $0xb8;
	[tilespmem:$0x10080] =	vst v63  }
0xee: {  	v3 =	vld [tilespmem:$0x10];
	_ =	sdelay $0x4  }
0xef: {  	v61 =	vshll.u32 v3, $0x4  }
0xf0: {  	v3 =	vand.u32 $0x7, v3;
	v4 =	vand.u32 $0xFFFFFF80, v61  }
0xf1: {  	v3 =	vor.u32 v3, v4  }
0xf2: {  	v4 =	vperm.xlane v3, v0;
	_ =	sdelay $0x1  }
0xf3: {  	v4 =	vadd.s32 v1, v4;
	_ =	sdelay $0x4  }
0xf4: {  	[tilespmem:s24], [sflag:$0x1] =	stream.indirect_vreg.gather [hbm4b:s1+s3], $0x80, v4, vm0, $0xb8;
	[tilespmem:$0x10080] =	vst v63  }
0xf5: {  	_ = 	snop  }
0xf6: {  	[tilespmem:s25], [sflag:$0x1] =	stream.indirect_vreg.gather [hbm4b:s4+s3], $0x80, v4, vm0, $0xb8;
	[tilespmem:$0x10080] =	vst v63  }
0xf7: {  	s28 =	simm.s32 $0x9080  }
0xf8: {  	[tilespmem:s28], [sflag:$0x1] =	stream.indirect_vreg.gather [hbm4b:s5+s3], $0x80, v4, vm0, $0xb8;
	[tilespmem:$0x10080] =	vst v63  }
0xf9: {  	s28 =	simm.s32 $0x9880  }
0xfa: {  	[tilespmem:s28], [sflag:$0x1] =	stream.indirect_vreg.gather [hbm4b:s6+s3], $0x80, v4, vm0, $0xb8;
	[tilespmem:$0x10080] =	vst v63  }
0xfb: {  	s28 =	simm.s32 $0xA080  }
0xfc: {  	[tilespmem:s28], [sflag:$0x1] =	stream.indirect_vreg.gather [hbm4b:s7+s3], $0x80, v4, vm0, $0xb8;
	[tilespmem:$0x10080] =	vst v63  }
0xfd: {  	v3 =	vperm.xlane v3, v2;
	s28 =	simm.s32 $0xA880  }
0xfe: {  	[tilespmem:s28], [sflag:$0x1] =	stream.indirect_vreg.gather [hbm4b:s8+s3], $0x80, v4, vm0, $0xb8;
	[tilespmem:$0x10080] =	vst v63  }
0xff: {  	v3 =	vadd.s32 v1, v3;
	s28 =	simm.s32 $0xB080  }
0x100: {  	[tilespmem:s28], [sflag:$0x1] =	stream.indirect_vreg.gather [hbm4b:s9+s3], $0x80, v4, vm0, $0xb8;
	[tilespmem:$0x10080] =	vst v63  }
0x101: {  	s28 =	simm.s32 $0xB880  }
0x102: {  	[tilespmem:s28], [sflag:$0x1] =	stream.indirect_vreg.gather [hbm4b:s10+s3], $0x80, v4, vm0, $0xb8;
	[tilespmem:$0x10080] =	vst v63  }
0x103: {  	s28 =	simm.s32 $0xC080  }
0x104: {  	[tilespmem:s28], [sflag:$0x1] =	stream.indirect_vreg.gather [hbm4b:s1+s3], $0x80, v3, vm0, $0xb8;
	[tilespmem:$0x10080] =	vst v63  }
0x105: {  	s28 =	simm.s32 $0xC880  }
0x106: {  	[tilespmem:s28], [sflag:$0x1] =	stream.indirect_vreg.gather [hbm4b:s4+s3], $0x80, v3, vm0, $0xb8;
	[tilespmem:$0x10080] =	vst v63  }
0x107: {  	s28 =	simm.s32 $0xD080  }
0x108: {  	[tilespmem:s28], [sflag:$0x1] =	stream.indirect_vreg.gather [hbm4b:s5+s3], $0x80, v3, vm0, $0xb8;
	[tilespmem:$0x10080] =	vst v63  }
0x109: {  	s28 =	simm.s32 $0xD880  }
0x10a: {  	[tilespmem:s28], [sflag:$0x1] =	stream.indirect_vreg.gather [hbm4b:s6+s3], $0x80, v3, vm0, $0xb8;
	[tilespmem:$0x10080] =	vst v63  }
0x10b: {  	s28 =	simm.s32 $0xE080  }
0x10c: {  	[tilespmem:s28], [sflag:$0x1] =	stream.indirect_vreg.gather [hbm4b:s7+s3], $0x80, v3, vm0, $0xb8;
	[tilespmem:$0x10080] =	vst v63  }
0x10d: {  	s28 =	simm.s32 $0xE880  }
0x10e: {  	[tilespmem:s28], [sflag:$0x1] =	stream.indirect_vreg.gather [hbm4b:s8+s3], $0x80, v3, vm0, $0xb8;
	[tilespmem:$0x10080] =	vst v63  }
0x10f: {  	s28 =	simm.s32 $0xF080  }
0x110: {  	[tilespmem:s28], [sflag:$0x1] =	stream.indirect_vreg.gather [hbm4b:s9+s3], $0x80, v3, vm0, $0xb8;
	[tilespmem:$0x10080] =	vst v63  }
0x111: {  	s28 =	simm.s32 $0xF880  }
0x112: {  	[tilespmem:s28], [sflag:$0x1] =	stream.indirect_vreg.gather [hbm4b:s10+s3], $0x80, v3, vm0, $0xb8;
	[tilespmem:$0x10080] =	vst v63  }
0x113: {  	_ =	swait.ge [sflag:s26], $0x10000  }
0x114: {  	[sflag:s26] =	ssyncset.done $0x0  }
0x115: {  	s28 =	rddreg [dreg:$0x9];
	[sflag:s26] =	ssyncadd.s32 $0xFFFF0000  }
0x116: {  	[hbm4b:s28+s3] =	stream.linear.scatter [tilespmem:s13], [sflag:$0x2], $0x10000, $0x38;
	[tilespmem:$0x10080] =	vst v63  }
0x117: {  	_ =	swait.ge [sflag:s12], $0x10000  }
0x118: {  	[sflag:s12] =	ssyncset.done $0x0  }
0x119: {  	s28 =	rddreg [dreg:$0xa];
	[sflag:s12] =	ssyncadd.s32 $0xFFFF0000  }
0x11a: {  	[tilespmem:s3], [sflag:$0x2] =	stream.linear.gather [hbm4b:s28+s3], $0x20, $0x38;
	[tilespmem:$0x10080] =	vst v63  }
0x11b: {  	_ =	swait.ge [sflag:s12], $0x20  }
0x11c: {  	[sflag:s12] =	ssyncset.done $0x0  }
0x11d: {  	[sflag:s12] =	ssyncadd.s32 $0xFFFFFFE0  }
0x11e: {  	v3 =	vld [tilespmem:$0x0];
	_ =	sdelay $0x4  }
0x11f: {  	v62 =	vshll.u32 v3, $0x4  }
0x120: {  	v3 =	vand.u32 $0x7, v3;
	v4 =	vand.u32 $0xFFFFFF80, v62  }
0x121: {  	v3 =	vor.u32 v3, v4  }
0x122: {  	v4 =	vperm.xlane v3, v0;
	_ =	sdelay $0x1  }
0x123: {  	v4 =	vadd.s32 v1, v4;
	_ =	sdelay $0x4  }
0x124: {  	[tilespmem:s13], [sflag:$0x1] =	stream.indirect_vreg.gather [hbm4b:s1+s3], $0x80, v4, vm0, $0xb8;
	[tilespmem:$0x10080] =	vst v63  }
0x125: {  	_ = 	snop  }
0x126: {  	[tilespmem:s29], [sflag:$0x1] =	stream.indirect_vreg.gather [hbm4b:s4+s3], $0x80, v4, vm0, $0xb8;
	[tilespmem:$0x10080] =	vst v63  }
0x127: {  	_ = 	snop  }
0x128: {  	[tilespmem:s30], [sflag:$0x1] =	stream.indirect_vreg.gather [hbm4b:s5+s3], $0x80, v4, vm0, $0xb8;
	[tilespmem:$0x10080] =	vst v63  }
0x129: {  	_ = 	snop  }
0x12a: {  	[tilespmem:s31], [sflag:$0x1] =	stream.indirect_vreg.gather [hbm4b:s6+s3], $0x80, v4, vm0, $0xb8;
	[tilespmem:$0x10080] =	vst v63  }
0x12b: {  	_ = 	snop  }
0x12c: {  	[tilespmem:s0], [sflag:$0x1] =	stream.indirect_vreg.gather [hbm4b:s7+s3], $0x80, v4, vm0, $0xb8;
	[tilespmem:$0x10080] =	vst v63  }
0x12d: {  	v3 =	vperm.xlane v3, v2  }
0x12e: {  	[tilespmem:s2], [sflag:$0x1] =	stream.indirect_vreg.gather [hbm4b:s8+s3], $0x80, v4, vm0, $0xb8;
	[tilespmem:$0x10080] =	vst v63  }
0x12f: {  	v3 =	vadd.s32 v1, v3  }
0x130: {  	[tilespmem:s14], [sflag:$0x1] =	stream.indirect_vreg.gather [hbm4b:s9+s3], $0x80, v4, vm0, $0xb8;
	[tilespmem:$0x10080] =	vst v63  }
0x131: {  	_ = 	snop  }
0x132: {  	[tilespmem:s15], [sflag:$0x1] =	stream.indirect_vreg.gather [hbm4b:s10+s3], $0x80, v4, vm0, $0xb8;
	[tilespmem:$0x10080] =	vst v63  }
0x133: {  	_ = 	snop  }
0x134: {  	[tilespmem:s16], [sflag:$0x1] =	stream.indirect_vreg.gather [hbm4b:s1+s3], $0x80, v3, vm0, $0xb8;
	[tilespmem:$0x10080] =	vst v63  }
0x135: {  	_ = 	snop  }
0x136: {  	[tilespmem:s17], [sflag:$0x1] =	stream.indirect_vreg.gather [hbm4b:s4+s3], $0x80, v3, vm0, $0xb8;
	[tilespmem:$0x10080] =	vst v63  }
0x137: {  	_ = 	snop  }
0x138: {  	[tilespmem:s18], [sflag:$0x1] =	stream.indirect_vreg.gather [hbm4b:s5+s3], $0x80, v3, vm0, $0xb8;
	[tilespmem:$0x10080] =	vst v63  }
0x139: {  	_ = 	snop  }
0x13a: {  	[tilespmem:s19], [sflag:$0x1] =	stream.indirect_vreg.gather [hbm4b:s6+s3], $0x80, v3, vm0, $0xb8;
	[tilespmem:$0x10080] =	vst v63  }
0x13b: {  	_ = 	snop  }
0x13c: {  	[tilespmem:s20], [sflag:$0x1] =	stream.indirect_vreg.gather [hbm4b:s7+s3], $0x80, v3, vm0, $0xb8;
	[tilespmem:$0x10080] =	vst v63  }
0x13d: {  	_ = 	snop  }
0x13e: {  	[tilespmem:s21], [sflag:$0x1] =	stream.indirect_vreg.gather [hbm4b:s8+s3], $0x80, v3, vm0, $0xb8;
	[tilespmem:$0x10080] =	vst v63  }
0x13f: {  	_ = 	snop  }
0x140: {  	[tilespmem:s22], [sflag:$0x1] =	stream.indirect_vreg.gather [hbm4b:s9+s3], $0x80, v3, vm0, $0xb8;
	[tilespmem:$0x10080] =	vst v63  }
0x141: {  	_ = 	snop  }
0x142: {  	[tilespmem:s23], [sflag:$0x1] =	stream.indirect_vreg.gather [hbm4b:s10+s3], $0x80, v3, vm0, $0xb8;
	[tilespmem:$0x10080] =	vst v63  }
0x143: {  	v3 =	vld [tilespmem:$0x10];
	_ =	sdelay $0x4  }
0x144: {  	v63 =	vshll.u32 v3, $0x4  }
0x145: {  	v3 =	vand.u32 $0x7, v3;
	v4 =	vand.u32 $0xFFFFFF80, v63  }
0x146: {  	v3 =	vor.u32 v3, v4  }
0x147: {  	v4 =	vperm.xlane v3, v0;
	_ =	sdelay $0x1  }
0x148: {  	v4 =	vadd.s32 v1, v4;
	_ =	sdelay $0x4  }
0x149: {  	[tilespmem:s24], [sflag:$0x1] =	stream.indirect_vreg.gather [hbm4b:s1+s3], $0x80, v4, vm0, $0xb8;
	[tilespmem:$0x10080] =	vst v63  }
0x14a: {  	_ = 	snop  }
0x14b: {  	[tilespmem:s25], [sflag:$0x1] =	stream.indirect_vreg.gather [hbm4b:s4+s3], $0x80, v4, vm0, $0xb8;
	[tilespmem:$0x10080] =	vst v63  }
0x14c: {  	s28 =	simm.s32 $0x9080  }
0x14d: {  	[tilespmem:s28], [sflag:$0x1] =	stream.indirect_vreg.gather [hbm4b:s5+s3], $0x80, v4, vm0, $0xb8;
	[tilespmem:$0x10080] =	vst v63  }
0x14e: {  	s28 =	simm.s32 $0x9880  }
0x14f: {  	[tilespmem:s28], [sflag:$0x1] =	stream.indirect_vreg.gather [hbm4b:s6+s3], $0x80, v4, vm0, $0xb8;
	[tilespmem:$0x10080] =	vst v63  }
0x150: {  	s28 =	simm.s32 $0xA080  }
0x151: {  	[tilespmem:s28], [sflag:$0x1] =	stream.indirect_vreg.gather [hbm4b:s7+s3], $0x80, v4, vm0, $0xb8;
	[tilespmem:$0x10080] =	vst v63  }
0x152: {  	v3 =	vperm.xlane v3, v2;
	s28 =	simm.s32 $0xA880  }
0x153: {  	[tilespmem:s28], [sflag:$0x1] =	stream.indirect_vreg.gather [hbm4b:s8+s3], $0x80, v4, vm0, $0xb8;
	[tilespmem:$0x10080] =	vst v63  }
0x154: {  	v3 =	vadd.s32 v1, v3;
	s28 =	simm.s32 $0xB080  }
0x155: {  	[tilespmem:s28], [sflag:$0x1] =	stream.indirect_vreg.gather [hbm4b:s9+s3], $0x80, v4, vm0, $0xb8;
	[tilespmem:$0x10080] =	vst v63  }
0x156: {  	s28 =	simm.s32 $0xB880  }
0x157: {  	[tilespmem:s28], [sflag:$0x1] =	stream.indirect_vreg.gather [hbm4b:s10+s3], $0x80, v4, vm0, $0xb8;
	[tilespmem:$0x10080] =	vst v63  }
0x158: {  	s28 =	simm.s32 $0xC080  }
0x159: {  	[tilespmem:s28], [sflag:$0x1] =	stream.indirect_vreg.gather [hbm4b:s1+s3], $0x80, v3, vm0, $0xb8;
	[tilespmem:$0x10080] =	vst v63  }
0x15a: {  	s28 =	simm.s32 $0xC880  }
0x15b: {  	[tilespmem:s28], [sflag:$0x1] =	stream.indirect_vreg.gather [hbm4b:s4+s3], $0x80, v3, vm0, $0xb8;
	[tilespmem:$0x10080] =	vst v63  }
0x15c: {  	s28 =	simm.s32 $0xD080  }
0x15d: {  	[tilespmem:s28], [sflag:$0x1] =	stream.indirect_vreg.gather [hbm4b:s5+s3], $0x80, v3, vm0, $0xb8;
	[tilespmem:$0x10080] =	vst v63  }
0x15e: {  	s28 =	simm.s32 $0xD880  }
0x15f: {  	[tilespmem:s28], [sflag:$0x1] =	stream.indirect_vreg.gather [hbm4b:s6+s3], $0x80, v3, vm0, $0xb8;
	[tilespmem:$0x10080] =	vst v63  }
0x160: {  	s28 =	simm.s32 $0xE080  }
0x161: {  	[tilespmem:s28], [sflag:$0x1] =	stream.indirect_vreg.gather [hbm4b:s7+s3], $0x80, v3, vm0, $0xb8;
	[tilespmem:$0x10080] =	vst v63  }
0x162: {  	s28 =	simm.s32 $0xE880  }
0x163: {  	[tilespmem:s28], [sflag:$0x1] =	stream.indirect_vreg.gather [hbm4b:s8+s3], $0x80, v3, vm0, $0xb8;
	[tilespmem:$0x10080] =	vst v63  }
0x164: {  	s28 =	simm.s32 $0xF080  }
0x165: {  	[tilespmem:s28], [sflag:$0x1] =	stream.indirect_vreg.gather [hbm4b:s9+s3], $0x80, v3, vm0, $0xb8;
	[tilespmem:$0x10080] =	vst v63  }
0x166: {  	s28 =	simm.s32 $0xF880  }
0x167: {  	[tilespmem:s28], [sflag:$0x1] =	stream.indirect_vreg.gather [hbm4b:s10+s3], $0x80, v3, vm0, $0xb8;
	[tilespmem:$0x10080] =	vst v63  }
0x168: {  	_ =	swait.ge [sflag:s26], $0x10000  }
0x169: {  	p0 =	sne.s32 s11, $0x1;
	[sflag:s26] =	ssyncset.done $0x0  }
.Ltmp0:
0x16a: {  	s0 =	rddreg [dreg:$0xb];
	[sflag:s26] =	ssyncadd.s32 $0xFFFF0000;
	(pc) =	sbr.rel @p0 .LBB2_1-.Ltmp0, $4  }
0x16b: {  	[hbm4b:s0+s3] =	stream.linear.scatter [tilespmem:s13], [sflag:$0x2], $0x10000, $0x38;
	[tilespmem:$0x10080] =	vst v63  }
0x16c: {  	_ =	swait.ge [sflag:s12], $0x10000  }
0x16d: {  	[sflag:s12] =	ssyncset.done $0x0  }
0x16e: {  	s11 =	sadd.s32 $0xFFFFFFFF, s11;
	[sflag:s12] =	ssyncadd.s32 $0xFFFF0000  }
0x16f: {  	_ =	sfence.sel $0x180000  }
0x170: {  	[bflag:$0x0] =	sbarrier.arrive $0xFFFF  }
0x171: {  	_ =	strace $0x90000047  }
0x172: {  	s0 =	stileid.u32;
	[bflag:$0x2] =	sbarrier.arrive $0xFFFF  }
0x173: {  	p0 =	sne.s32 s0, $0x0;
	s0 =	rddreg [dreg:$0x3]  }
0x174: {  	s0 =	sadd.s32 @!p0 $0x100000, s0  }
0x175: {  	[sflag:s0] =	ssyncadd.tile.s32 @!p0 $0x1;
	_ =	shalt  }
.Lfunc_end2:
_tile_overlayer_lowered:
.L_overlay_start_2:
0x176: {  	(tag) =	ssettag $0x2  }
0x177: {  	s0 =	rddreg [dreg:$0x0];
	s2 =	stileid.u32  }
0x178: {  	s1 =	rddreg [dreg:$0x1];
	p0 =	sne.s32 s2, $0x0  }
0x179: {  	s3 =	rddreg [dreg:$0x2];
	[bflag:$0x3] =	sbarrier.arrive $0xFFFF;
	s2 =	simm.s32 @!p0 $0x1C02  }
0x17a: {  	[timem:s3], [sflag:s2] =	dma.local @!p0 [hbm:s0], s1  }
0x17b: {  	s0 =	simm.s32 @!p0 $0x2  }
0x17c: {  	_ =	swait.ge @!p0 [sflag:s0], s1  }
0x17d: {  	s1 =	ssub.s32 @!p0 $0x0, s1;
	[sflag:s0] =	ssyncset.done @!p0 $0x0  }
0x17e: {  	[sflag:s0] =	ssyncadd.s32 @!p0 s1  }
0x17f: {  	[bflag:$0x3] =	sbarrier.arrive $0xFFFF  }
0x180: {  	_ =	shalt  }

</sc_bundles>
